<compile_context>
chip_gen: v7x
topology: tpu7x:2x2x1
jax: 0.10.2.dev20260603
libtpu: 0.0.44.dev20260713+nightly
codegen_flags: <defaults>
</compile_context>

<pallas_src>
import functools

import jax
import jax.numpy as jnp
from jax import lax
from jax.experimental import pallas as pl
from jax.experimental.pallas import tpu as pltpu
from jax.experimental.pallas import tpu_sc as plsc

N, E, D = 10000, 320000, 128
L = 16
NC, NS = 2, 16
NW = NC * NS
EH = E // 2
EW = EH // NW
C = 40
CHUNKS = EW // C
PAIRS = CHUNKS // 2

_HI = lax.Precision.HIGHEST


def _dot(a, b):
    return lax.dot_general(a, b, (((1,), (0,)), ((), ())),
                           precision=_HI, preferred_element_type=jnp.float32)


def _silu(x):
    return x * jax.nn.sigmoid(x)


_BE = 1600


def _fused_proj_body(nodes_ref, w1a_ref, b1_ref, ef_ref, w1b_ref,
                     p_ref, efp_ref):
    @pl.when(pl.program_id(0) == 0)
    def _():
        p_ref[...] = _dot(nodes_ref[...], w1a_ref[...]) + b1_ref[...]

    efp_ref[...] = _dot(ef_ref[...], w1b_ref[...])


def _node_and_edge_proj(nodes, w1a, b1, ef, w1b):
    grid = EH // _BE + 1
    emap = lambda i: (jnp.maximum(i - 1, 0), 0)
    eomap = lambda i: (jnp.maximum(i - 1, 0), 0)
    whole = lambda i: (0, 0)
    return pl.pallas_call(
        _fused_proj_body,
        grid=(grid,),
        in_specs=[
            pl.BlockSpec((N, D), whole),
            pl.BlockSpec((D, D), whole),
            pl.BlockSpec((1, D), whole),
            pl.BlockSpec((_BE, D), emap),
            pl.BlockSpec((D, D), whole),
        ],
        out_specs=[
            pl.BlockSpec((N, D), whole),
            pl.BlockSpec((_BE, D), eomap),
        ],
        out_shape=[
            jax.ShapeDtypeStruct((N, D), jnp.float32),
            jax.ShapeDtypeStruct((EH, D), jnp.float32),
        ],
    )(nodes, w1a, b1.reshape(1, D), ef, w1b)


def _edge_proj_body(ef_ref, w_ref, out_ref):
    out_ref[...] = _dot(ef_ref[...], w_ref[...])


def _edge_proj(ef, w):
    grid = EH // _BE
    return pl.pallas_call(
        _edge_proj_body,
        grid=(grid,),
        in_specs=[
            pl.BlockSpec((_BE, D), lambda i: (i + EH // _BE, 0)),
            pl.BlockSpec((D, D), lambda i: (0, 0)),
        ],
        out_specs=pl.BlockSpec((_BE, D), lambda i: (i, 0)),
        out_shape=jax.ShapeDtypeStruct((EH, D), jnp.float32),
    )(ef, w)


_ZR = 640
_ZR_LAST = N - 15 * _ZR


def _sc_body(edge0, p_hbm, efp_hbm, src_hbm, tgt_hbm, init_hbm, out_hbm,
             srcall, tidx0, tidx1, g0, g1, e0, e1,
             acc, tsems, gsems, esems, ssems):
    c = lax.axis_index("c")
    s = lax.axis_index("s")
    wid = s * NC + c
    base_e = edge0 + wid * EW
    base_f = wid * EW
    tidx = (tidx0, tidx1)
    grows = (g0, g1)
    erows = (e0, e1)

    pltpu.async_copy(src_hbm.at[pl.ds(base_e, EW)], srcall, gsems.at[0])

    @pl.when(s < NS - 1)
    def _():
        pltpu.async_copy(init_hbm.at[c, pl.ds(s * _ZR, _ZR)],
                         acc.at[pl.ds(s * _ZR, _ZR)], tsems.at[0])
        pltpu.make_async_copy(init_hbm.at[c, pl.ds(s * _ZR, _ZR)],
                              acc.at[pl.ds(s * _ZR, _ZR)], tsems.at[0]).wait()

    @pl.when(s == NS - 1)
    def _():
        pltpu.async_copy(init_hbm.at[c, pl.ds(15 * _ZR, _ZR_LAST)],
                         acc.at[pl.ds(15 * _ZR, _ZR_LAST)], tsems.at[0])
        pltpu.make_async_copy(
            init_hbm.at[c, pl.ds(15 * _ZR, _ZR_LAST)],
            acc.at[pl.ds(15 * _ZR, _ZR_LAST)], tsems.at[0]).wait()

    pltpu.make_async_copy(src_hbm.at[pl.ds(base_e, EW)], srcall,
                          gsems.at[0]).wait()
    plsc.subcore_barrier()

    def fetch(b, t):
        pltpu.async_copy(tgt_hbm.at[pl.ds(base_e + t * C, C)], tidx[b],
                         tsems.at[b])
        pltpu.async_copy(p_hbm.at[srcall.at[pl.ds(t * C, C)]], grows[b],
                         gsems.at[b])
        pltpu.async_copy(efp_hbm.at[pl.ds(base_f + t * C, C)], erows[b],
                         esems.at[b])

    def wait_fetch(b, t):
        pltpu.make_async_copy(tgt_hbm.at[pl.ds(base_e + t * C, C)], tidx[b],
                              tsems.at[b]).wait()
        pltpu.make_async_copy(p_hbm.at[srcall.at[pl.ds(t * C, C)]], grows[b],
                              gsems.at[b]).wait()
        pltpu.make_async_copy(efp_hbm.at[pl.ds(base_f + t * C, C)], erows[b],
                              esems.at[b]).wait()

    def compute(b):
        gb = grows[b]
        eb = erows[b]

        def row_body(i):
            for j in range(D // L):
                x = gb[i, pl.ds(j * L, L)] + eb[i, pl.ds(j * L, L)]
                eb[i, pl.ds(j * L, L)] = x / (1.0 + jnp.exp(-x))

        plsc.parallel_loop(0, C, unroll=2)(row_body)

    def process(b, t):
        wait_fetch(b, t)
        pltpu.async_copy(erows[b], acc.at[tidx[b]], ssems.at[b], add=True)
        pltpu.make_async_copy(erows[b], acc.at[tidx[b]], ssems.at[b]).wait()

        @pl.when(t + 2 < CHUNKS)
        def _():
            fetch(b, t + 2)

    fetch(0, 0)
    fetch(1, 1)

    def pair_body(it, carry):
        process(0, it * 2)
        process(1, it * 2 + 1)
        return carry

    lax.fori_loop(0, PAIRS, pair_body, 0)
    process(0, CHUNKS - 1)

    plsc.subcore_barrier()

    @pl.when(s < NS - 1)
    def _():
        pltpu.sync_copy(acc.at[pl.ds(s * _ZR, _ZR)],
                        out_hbm.at[c, pl.ds(s * _ZR, _ZR)])

    @pl.when(s == NS - 1)
    def _():
        pltpu.sync_copy(acc.at[pl.ds(15 * _ZR, _ZR_LAST)],
                        out_hbm.at[c, pl.ds(15 * _ZR, _ZR_LAST)])


def _make_sc_aggregate(edge0):
    @functools.partial(
        pl.kernel,
        out_type=jax.ShapeDtypeStruct((NC, N, D), jnp.float32),
        mesh=plsc.VectorSubcoreMesh(core_axis_name="c", subcore_axis_name="s"),
        scratch_types=[
            pltpu.VMEM((EW,), jnp.int32),
            pltpu.VMEM((C,), jnp.int32),
            pltpu.VMEM((C,), jnp.int32),
            pltpu.VMEM((C, D), jnp.float32),
            pltpu.VMEM((C, D), jnp.float32),
            pltpu.VMEM((C, D), jnp.float32),
            pltpu.VMEM((C, D), jnp.float32),
            pltpu.VMEM_SHARED((N, D), jnp.float32),
            pltpu.SemaphoreType.DMA((2,)),
            pltpu.SemaphoreType.DMA((2,)),
            pltpu.SemaphoreType.DMA((2,)),
            pltpu.SemaphoreType.DMA((2,)),
        ],
    )
    def sc_aggregate(*args):
        _sc_body(edge0, *args)

    return sc_aggregate


_sc_half0 = _make_sc_aggregate(0)
_sc_half1 = _make_sc_aggregate(EH)


_BN = 2000


def _update_body(nodes_ref, part_ref, w2a_ref, w2b_ref, b2_ref,
                 w3_ref, b3_ref, out_ref):
    nodes = nodes_ref[...]
    agg = part_ref[0] + part_ref[1]
    u = _silu(_dot(nodes, w2a_ref[...]) + _dot(agg, w2b_ref[...]) + b2_ref[...])
    out_ref[...] = nodes + _dot(u, w3_ref[...]) + b3_ref[...]


def _node_update(nodes, partials, w2a, w2b, b2, w3, b3):
    grid = N // _BN
    blk = lambda i: (i, 0)
    whole = lambda i: (0, 0)
    return pl.pallas_call(
        _update_body,
        grid=(grid,),
        in_specs=[
            pl.BlockSpec((_BN, D), blk),
            pl.BlockSpec((NC, _BN, D), lambda i: (0, i, 0)),
            pl.BlockSpec((D, D), whole),
            pl.BlockSpec((D, D), whole),
            pl.BlockSpec((1, D), whole),
            pl.BlockSpec((D, D), whole),
            pl.BlockSpec((1, D), whole),
        ],
        out_specs=pl.BlockSpec((_BN, D), blk),
        out_shape=jax.ShapeDtypeStruct((N, D), jnp.float32),
    )(nodes, partials, w2a, w2b, b2.reshape(1, D), w3, b3.reshape(1, D))


def kernel(nodes, edge_index, edge_features, W1, b1, W2, b2, W3, b3):
    src = edge_index[0]
    tgt = edge_index[1]
    W1a, W1b = W1[:D], W1[D:]
    W2a, W2b = W2[:D], W2[D:]

    p, efp0 = _node_and_edge_proj(nodes, W1a, b1, edge_features, W1b)
    efp1 = _edge_proj(edge_features, W1b)
    zeros = jnp.zeros((NC, N, D), jnp.float32)
    part0 = _sc_half0(p, efp0, src, tgt, zeros)
    part1 = _sc_half1(p, efp1, src, tgt, part0)
    return _node_update(nodes, part1, W2a, W2b, b2, W3, b3)

# --- scband reference (transcript-rebuilt; emitter-appended) ---
"""Pipeline reference for scband-message-passing-layer-13073880449416 (READ-ONLY COPY).

The authoritative reference and input builder live on the scoring server;
editing this copy changes nothing except your own understanding.
"""

import jax, jax.numpy as jnp
import numpy as np

N, E, D = 10000, 320000, 128

def setup_inputs(seed: int = 0):
    key = jax.random.key(seed)
    ks = jax.random.split(key, 10)
    nodes = jax.random.normal(ks[0], (N, D), dtype=jnp.float32)
    edge_index = jax.random.randint(ks[1], (2, E), 0, N)
    edge_features = jax.random.normal(ks[2], (E, D), dtype=jnp.float32)
    s1 = 1.0 / np.sqrt(2 * D)
    s3 = 1.0 / np.sqrt(D)
    W1 = jax.random.normal(ks[3], (2 * D, D), dtype=jnp.float32) * s1
    b1 = jnp.zeros((D,), dtype=jnp.float32)
    W2 = jax.random.normal(ks[4], (2 * D, D), dtype=jnp.float32) * s1
    b2 = jnp.zeros((D,), dtype=jnp.float32)
    W3 = jax.random.normal(ks[5], (D, D), dtype=jnp.float32) * s3
    b3 = jnp.zeros((D,), dtype=jnp.float32)
    return {"nodes": nodes, "edge_index": edge_index, "edge_features": edge_features,
            "W1": W1, "b1": b1, "W2": W2, "b2": b2, "W3": W3, "b3": b3}

def _silu(x):
    return x * jax.nn.sigmoid(x)

def reference(nodes, edge_index, edge_features, W1, b1, W2, b2, W3, b3):
    source = edge_index[0]
    target = edge_index[1]
    source_features = jnp.take(nodes, source, axis=0)
    messages = jnp.concatenate([source_features, edge_features], axis=1)
    messages = _silu(messages @ W1 + b1)  # dropout is identity at inference
    aggregated = jnp.zeros_like(nodes).at[target].add(messages)
    updated = jnp.concatenate([nodes, aggregated], axis=1)
    updated = _silu(updated @ W2 + b2)
    updated = updated @ W3 + b3
    return nodes + updated

if __name__ == "__main__":
    import jax
    _d = setup_inputs()
    print(jax.jit(kernel)(*tuple(_d.values())))

</pallas_src>

<mosaic_0001>
#map = affine_map<(d0, d1) -> (0, 0)>
#map1 = affine_map<(d0, d1) -> (0)>
#map2 = affine_map<(d0, d1) -> (0, 0, 0)>
module attributes {stable_mosaic.version = 14 : i64} {
  func.func @sc_aggregate(%arg0: i32, %arg1: i32, %arg2: memref<10000x128xf32, #tpu.memory_space<hbm>>, %arg3: memref<160000x128xf32, #tpu.memory_space<hbm>>, %arg4: memref<320000xi32, #tpu.memory_space<hbm>>, %arg5: memref<320000xi32, #tpu.memory_space<hbm>>, %arg6: memref<2x10000x128xf32, #tpu.memory_space<hbm>>, %arg7: memref<2x10000x128xf32, #tpu.memory_space<hbm>>, %arg8: memref<5000xi32, #tpu.memory_space<vmem>>, %arg9: memref<40xi32, #tpu.memory_space<vmem>>, %arg10: memref<40xi32, #tpu.memory_space<vmem>>, %arg11: memref<40x128xf32, #tpu.memory_space<vmem>>, %arg12: memref<40x128xf32, #tpu.memory_space<vmem>>, %arg13: memref<40x128xf32, #tpu.memory_space<vmem>>, %arg14: memref<40x128xf32, #tpu.memory_space<vmem>>, %arg15: memref<10000x128xf32, #tpu.memory_space<vmem_shared>>, %arg16: memref<2x!tpu.dma_semaphore, #tpu.memory_space<semaphore_mem>>, %arg17: memref<2x!tpu.dma_semaphore, #tpu.memory_space<semaphore_mem>>, %arg18: memref<2x!tpu.dma_semaphore, #tpu.memory_space<semaphore_mem>>, %arg19: memref<2x!tpu.dma_semaphore, #tpu.memory_space<semaphore_mem>>) attributes {dimension_semantics = [#tpu.dimension_semantics<core_parallel>, #tpu.dimension_semantics<subcore_parallel>], iteration_bounds = array<i64: 2, 16>, scalar_prefetch = 0 : i64, scratch_operands = 12 : i64, tpu.core_type = #tpu.core_type<sc_vector_subcore>, window_params = [{transform_indices = #map}, {transform_indices = #map}, {transform_indices = #map1}, {transform_indices = #map1}, {transform_indices = #map2}, {transform_indices = #map2}]} {
    %mul3A = arith.constant 2 : i32
    %mul3A_0 = arith.muli %arg1, %mul3A : i32
    %add3A = arith.addi %mul3A_0, %arg0 : i32
    %mul3A_1 = arith.constant 5000 : i32
    %mul3A_2 = arith.muli %add3A, %mul3A_1 : i32
    %add3A_3 = arith.constant 0 : i32
    %add3A_4 = arith.addi %add3A_3, %mul3A_2 : i32
    %mul3A_5 = arith.constant 5000 : i32
    %mul3A_6 = arith.muli %add3A, %mul3A_5 : i32
    %dma_start3A = arith.constant 0 : i32
    %dma_start3A_7 = tpu.memref_slice %arg4[%add3A_4] : memref<320000xi32, #tpu.memory_space<hbm>> -> memref<5000xi32, #tpu.memory_space<hbm>>
    %dma_start3A_8 = tpu.memref_slice %arg17[%dma_start3A] : memref<2x!tpu.dma_semaphore, #tpu.memory_space<semaphore_mem>> -> memref<1x!tpu.dma_semaphore, #tpu.memory_space<semaphore_mem>>
    %dma_start3A_9 = tpu.memref_squeeze %dma_start3A_8 : memref<1x!tpu.dma_semaphore, #tpu.memory_space<semaphore_mem>> -> memref<!tpu.dma_semaphore, #tpu.memory_space<semaphore_mem>>
    %dma_start3A_10 = tpu.memref_slice %arg4[%add3A_4] : memref<320000xi32, #tpu.memory_space<hbm>> -> memref<5000xi32, #tpu.memory_space<hbm>>
    tpu.enqueue_dma source(%dma_start3A_10 : memref<5000xi32, #tpu.memory_space<hbm>>) target(%arg8 : memref<5000xi32, #tpu.memory_space<vmem>>) target_semaphore(%dma_start3A_9 : memref<!tpu.dma_semaphore, #tpu.memory_space<semaphore_mem>>)
    %lt3A = arith.constant 15 : i32
    %lt3A_11 = arith.cmpi slt, %arg1, %lt3A : i32
    %convert_element_type3A = arith.extui %lt3A_11 : i1 to i32
    %cond3A = arith.constant 0 : i32
    %cond3A_12 = arith.cmpi ne, %convert_element_type3A, %cond3A : i32
    scf.if %cond3A_12 {
      %mul3A_121 = arith.constant 640 : i32
      %mul3A_122 = arith.muli %arg1, %mul3A_121 : i32
      %mul3A_123 = arith.constant 640 : i32
      %mul3A_124 = arith.muli %arg1, %mul3A_123 : i32
      %dma_start3A_125 = arith.constant 0 : i32
      %dma_start3A_126 = tpu.memref_slice %arg16[%dma_start3A_125] : memref<2x!tpu.dma_semaphore, #tpu.memory_space<semaphore_mem>> -> memref<1x!tpu.dma_semaphore, #tpu.memory_space<semaphore_mem>>
      %dma_start3A_127 = tpu.memref_squeeze %dma_start3A_126 : memref<1x!tpu.dma_semaphore, #tpu.memory_space<semaphore_mem>> -> memref<!tpu.dma_semaphore, #tpu.memory_space<semaphore_mem>>
      %dma_start3A_128 = arith.constant 0 : i32
      %dma_start3A_129 = tpu.memref_slice %arg15[%mul3A_124, %dma_start3A_128] : memref<10000x128xf32, #tpu.memory_space<vmem_shared>> -> memref<640x128xf32, #tpu.memory_space<vmem_shared>>
      %dma_start3A_130 = arith.constant 0 : i32
      %dma_start3A_131 = tpu.memref_slice %arg6[%arg0, %mul3A_122, %dma_start3A_130] : memref<2x10000x128xf32, #tpu.memory_space<hbm>> -> memref<1x640x128xf32, #tpu.memory_space<hbm>>
      %dma_start3A_132 = tpu.memref_squeeze %dma_start3A_131 : memref<1x640x128xf32, #tpu.memory_space<hbm>> -> memref<640x128xf32, #tpu.memory_space<hbm>>
      tpu.enqueue_dma source(%dma_start3A_132 : memref<640x128xf32, #tpu.memory_space<hbm>>) target(%dma_start3A_129 : memref<640x128xf32, #tpu.memory_space<vmem_shared>>) target_semaphore(%dma_start3A_127 : memref<!tpu.dma_semaphore, #tpu.memory_space<semaphore_mem>>)
      %mul3A_133 = arith.constant 640 : i32
      %mul3A_134 = arith.muli %arg1, %mul3A_133 : i32
      %mul3A_135 = arith.constant 640 : i32
      %mul3A_136 = arith.muli %arg1, %mul3A_135 : i32
      %dma_wait3A_137 = arith.constant 0 : i32
      %dma_wait3A_138 = tpu.memref_slice %arg16[%dma_wait3A_137] : memref<2x!tpu.dma_semaphore, #tpu.memory_space<semaphore_mem>> -> memref<1x!tpu.dma_semaphore, #tpu.memory_space<semaphore_mem>>
      %dma_wait3A_139 = tpu.memref_squeeze %dma_wait3A_138 : memref<1x!tpu.dma_semaphore, #tpu.memory_space<semaphore_mem>> -> memref<!tpu.dma_semaphore, #tpu.memory_space<semaphore_mem>>
      %dma_wait3A_140 = arith.constant 0 : i32
      %dma_wait3A_141 = tpu.memref_slice %arg15[%mul3A_136, %dma_wait3A_140] : memref<10000x128xf32, #tpu.memory_space<vmem_shared>> -> memref<640x128xf32, #tpu.memory_space<vmem_shared>>
      %dma_wait3A_142 = arith.constant 0 : i32
      %dma_wait3A_143 = tpu.memref_slice %arg6[%arg0, %mul3A_134, %dma_wait3A_142] : memref<2x10000x128xf32, #tpu.memory_space<hbm>> -> memref<1x640x128xf32, #tpu.memory_space<hbm>>
      %dma_wait3A_144 = tpu.memref_squeeze %dma_wait3A_143 : memref<1x640x128xf32, #tpu.memory_space<hbm>> -> memref<640x128xf32, #tpu.memory_space<hbm>>
      tpu.wait_dma2 semaphore(%dma_wait3A_139 : memref<!tpu.dma_semaphore, #tpu.memory_space<semaphore_mem>>) src(%dma_wait3A_144 : memref<640x128xf32, #tpu.memory_space<hbm>>) dst(%dma_wait3A_141 : memref<640x128xf32, #tpu.memory_space<vmem_shared>>)
    } else {
    }
    %eq3A = arith.constant 15 : i32
    %eq3A_13 = arith.cmpi eq, %arg1, %eq3A : i32
    %convert_element_type3A_14 = arith.extui %eq3A_13 : i1 to i32
    %cond3A_15 = arith.constant 0 : i32
    %cond3A_16 = arith.cmpi ne, %convert_element_type3A_14, %cond3A_15 : i32
    scf.if %cond3A_16 {
      %dma_start3A_121 = arith.constant 0 : i32
      %dma_start3A_122 = tpu.memref_slice %arg16[%dma_start3A_121] : memref<2x!tpu.dma_semaphore, #tpu.memory_space<semaphore_mem>> -> memref<1x!tpu.dma_semaphore, #tpu.memory_space<semaphore_mem>>
      %dma_start3A_123 = tpu.memref_squeeze %dma_start3A_122 : memref<1x!tpu.dma_semaphore, #tpu.memory_space<semaphore_mem>> -> memref<!tpu.dma_semaphore, #tpu.memory_space<semaphore_mem>>
      %dma_start3A_124 = arith.constant 9600 : i32
      %dma_start3A_125 = arith.constant 0 : i32
      %dma_start3A_126 = tpu.memref_slice %arg15[%dma_start3A_124, %dma_start3A_125] : memref<10000x128xf32, #tpu.memory_space<vmem_shared>> -> memref<400x128xf32, #tpu.memory_space<vmem_shared>>
      %dma_start3A_127 = arith.constant 9600 : i32
      %dma_start3A_128 = arith.constant 0 : i32
      %dma_start3A_129 = tpu.memref_slice %arg6[%arg0, %dma_start3A_127, %dma_start3A_128] : memref<2x10000x128xf32, #tpu.memory_space<hbm>> -> memref<1x400x128xf32, #tpu.memory_space<hbm>>
      %dma_start3A_130 = tpu.memref_squeeze %dma_start3A_129 : memref<1x400x128xf32, #tpu.memory_space<hbm>> -> memref<400x128xf32, #tpu.memory_space<hbm>>
      tpu.enqueue_dma source(%dma_start3A_130 : memref<400x128xf32, #tpu.memory_space<hbm>>) target(%dma_start3A_126 : memref<400x128xf32, #tpu.memory_space<vmem_shared>>) target_semaphore(%dma_start3A_123 : memref<!tpu.dma_semaphore, #tpu.memory_space<semaphore_mem>>)
      %dma_wait3A_131 = arith.constant 0 : i32
      %dma_wait3A_132 = tpu.memref_slice %arg16[%dma_wait3A_131] : memref<2x!tpu.dma_semaphore, #tpu.memory_space<semaphore_mem>> -> memref<1x!tpu.dma_semaphore, #tpu.memory_space<semaphore_mem>>
      %dma_wait3A_133 = tpu.memref_squeeze %dma_wait3A_132 : memref<1x!tpu.dma_semaphore, #tpu.memory_space<semaphore_mem>> -> memref<!tpu.dma_semaphore, #tpu.memory_space<semaphore_mem>>
      %dma_wait3A_134 = arith.constant 9600 : i32
      %dma_wait3A_135 = arith.constant 0 : i32
      %dma_wait3A_136 = tpu.memref_slice %arg15[%dma_wait3A_134, %dma_wait3A_135] : memref<10000x128xf32, #tpu.memory_space<vmem_shared>> -> memref<400x128xf32, #tpu.memory_space<vmem_shared>>
      %dma_wait3A_137 = arith.constant 9600 : i32
      %dma_wait3A_138 = arith.constant 0 : i32
      %dma_wait3A_139 = tpu.memref_slice %arg6[%arg0, %dma_wait3A_137, %dma_wait3A_138] : memref<2x10000x128xf32, #tpu.memory_space<hbm>> -> memref<1x400x128xf32, #tpu.memory_space<hbm>>
      %dma_wait3A_140 = tpu.memref_squeeze %dma_wait3A_139 : memref<1x400x128xf32, #tpu.memory_space<hbm>> -> memref<400x128xf32, #tpu.memory_space<hbm>>
      tpu.wait_dma2 semaphore(%dma_wait3A_133 : memref<!tpu.dma_semaphore, #tpu.memory_space<semaphore_mem>>) src(%dma_wait3A_140 : memref<400x128xf32, #tpu.memory_space<hbm>>) dst(%dma_wait3A_136 : memref<400x128xf32, #tpu.memory_space<vmem_shared>>)
    } else {
    }
    %dma_wait3A = arith.constant 0 : i32
    %dma_wait3A_17 = tpu.memref_slice %arg4[%add3A_4] : memref<320000xi32, #tpu.memory_space<hbm>> -> memref<5000xi32, #tpu.memory_space<hbm>>
    %dma_wait3A_18 = tpu.memref_slice %arg17[%dma_wait3A] : memref<2x!tpu.dma_semaphore, #tpu.memory_space<semaphore_mem>> -> memref<1x!tpu.dma_semaphore, #tpu.memory_space<semaphore_mem>>
    %dma_wait3A_19 = tpu.memref_squeeze %dma_wait3A_18 : memref<1x!tpu.dma_semaphore, #tpu.memory_space<semaphore_mem>> -> memref<!tpu.dma_semaphore, #tpu.memory_space<semaphore_mem>>
    %dma_wait3A_20 = tpu.memref_slice %arg4[%add3A_4] : memref<320000xi32, #tpu.memory_space<hbm>> -> memref<5000xi32, #tpu.memory_space<hbm>>
    tpu.wait_dma2 semaphore(%dma_wait3A_19 : memref<!tpu.dma_semaphore, #tpu.memory_space<semaphore_mem>>) src(%dma_wait3A_20 : memref<5000xi32, #tpu.memory_space<hbm>>) dst(%arg8 : memref<5000xi32, #tpu.memory_space<vmem>>)
    %barrier3A = arith.constant 0 : index
    tpu.barrier barrier_id(%barrier3A)
    %add3A_21 = arith.constant 0 : i32
    %add3A_22 = arith.addi %add3A_4, %add3A_21 : i32
    %dma_start3A_23 = arith.constant 0 : i32
    %dma_start3A_24 = tpu.memref_slice %arg5[%add3A_22] : memref<320000xi32, #tpu.memory_space<hbm>> -> memref<40xi32, #tpu.memory_space<hbm>>
    %dma_start3A_25 = tpu.memref_slice %arg16[%dma_start3A_23] : memref<2x!tpu.dma_semaphore, #tpu.memory_space<semaphore_mem>> -> memref<1x!tpu.dma_semaphore, #tpu.memory_space<semaphore_mem>>
    %dma_start3A_26 = tpu.memref_squeeze %dma_start3A_25 : memref<1x!tpu.dma_semaphore, #tpu.memory_space<semaphore_mem>> -> memref<!tpu.dma_semaphore, #tpu.memory_space<semaphore_mem>>
    %dma_start3A_27 = tpu.memref_slice %arg5[%add3A_22] : memref<320000xi32, #tpu.memory_space<hbm>> -> memref<40xi32, #tpu.memory_space<hbm>>
    tpu.enqueue_dma source(%dma_start3A_27 : memref<40xi32, #tpu.memory_space<hbm>>) target(%arg9 : memref<40xi32, #tpu.memory_space<vmem>>) target_semaphore(%dma_start3A_26 : memref<!tpu.dma_semaphore, #tpu.memory_space<semaphore_mem>>)
    %dma_start3A_28 = arith.constant 0 : i32
    %dma_start3A_29 = arith.constant 0 : i32
    %dma_start3A_30 = tpu.memref_slice %arg8[%dma_start3A_29] : memref<5000xi32, #tpu.memory_space<vmem>> -> memref<40xi32, #tpu.memory_space<vmem>>
    %dma_start3A_31 = arith.constant 0 : i32
    %dma_start3A_32 = arith.constant 0 : i32
    %dma_start3A_33 = tpu.memref_slice %arg2[%dma_start3A_31, %dma_start3A_32] : memref<10000x128xf32, #tpu.memory_space<hbm>> -> memref<10000x128xf32, #tpu.memory_space<hbm>>
    %dma_start3A_34 = tpu.memref_slice %arg17[%dma_start3A_28] : memref<2x!tpu.dma_semaphore, #tpu.memory_space<semaphore_mem>> -> memref<1x!tpu.dma_semaphore, #tpu.memory_space<semaphore_mem>>
    %dma_start3A_35 = tpu.memref_squeeze %dma_start3A_34 : memref<1x!tpu.dma_semaphore, #tpu.memory_space<semaphore_mem>> -> memref<!tpu.dma_semaphore, #tpu.memory_space<semaphore_mem>>
    tpu.enqueue_indirect_dma source(%dma_start3A_33 : memref<10000x128xf32, #tpu.memory_space<hbm>>) target(%arg11 : memref<40x128xf32, #tpu.memory_space<vmem>>) offsets(%dma_start3A_30 : memref<40xi32, #tpu.memory_space<vmem>>) semaphore(%dma_start3A_35 : memref<!tpu.dma_semaphore, #tpu.memory_space<semaphore_mem>>)
    %add3A_36 = arith.constant 0 : i32
    %add3A_37 = arith.addi %mul3A_6, %add3A_36 : i32
    %dma_start3A_38 = arith.constant 0 : i32
    %dma_start3A_39 = arith.constant 0 : i32
    %dma_start3A_40 = tpu.memref_slice %arg3[%add3A_37, %dma_start3A_39] : memref<160000x128xf32, #tpu.memory_space<hbm>> -> memref<40x128xf32, #tpu.memory_space<hbm>>
    %dma_start3A_41 = tpu.memref_slice %arg18[%dma_start3A_38] : memref<2x!tpu.dma_semaphore, #tpu.memory_space<semaphore_mem>> -> memref<1x!tpu.dma_semaphore, #tpu.memory_space<semaphore_mem>>
    %dma_start3A_42 = tpu.memref_squeeze %dma_start3A_41 : memref<1x!tpu.dma_semaphore, #tpu.memory_space<semaphore_mem>> -> memref<!tpu.dma_semaphore, #tpu.memory_space<semaphore_mem>>
    %dma_start3A_43 = arith.constant 0 : i32
    %dma_start3A_44 = tpu.memref_slice %arg3[%add3A_37, %dma_start3A_43] : memref<160000x128xf32, #tpu.memory_space<hbm>> -> memref<40x128xf32, #tpu.memory_space<hbm>>
    tpu.enqueue_dma source(%dma_start3A_44 : memref<40x128xf32, #tpu.memory_space<hbm>>) target(%arg13 : memref<40x128xf32, #tpu.memory_space<vmem>>) target_semaphore(%dma_start3A_42 : memref<!tpu.dma_semaphore, #tpu.memory_space<semaphore_mem>>)
    %add3A_45 = arith.constant 40 : i32
    %add3A_46 = arith.addi %add3A_4, %add3A_45 : i32
    %dma_start3A_47 = arith.constant 1 : i32
    %dma_start3A_48 = tpu.memref_slice %arg5[%add3A_46] : memref<320000xi32, #tpu.memory_space<hbm>> -> memref<40xi32, #tpu.memory_space<hbm>>
    %dma_start3A_49 = tpu.memref_slice %arg16[%dma_start3A_47] : memref<2x!tpu.dma_semaphore, #tpu.memory_space<semaphore_mem>> -> memref<1x!tpu.dma_semaphore, #tpu.memory_space<semaphore_mem>>
    %dma_start3A_50 = tpu.memref_squeeze %dma_start3A_49 : memref<1x!tpu.dma_semaphore, #tpu.memory_space<semaphore_mem>> -> memref<!tpu.dma_semaphore, #tpu.memory_space<semaphore_mem>>
    %dma_start3A_51 = tpu.memref_slice %arg5[%add3A_46] : memref<320000xi32, #tpu.memory_space<hbm>> -> memref<40xi32, #tpu.memory_space<hbm>>
    tpu.enqueue_dma source(%dma_start3A_51 : memref<40xi32, #tpu.memory_space<hbm>>) target(%arg10 : memref<40xi32, #tpu.memory_space<vmem>>) target_semaphore(%dma_start3A_50 : memref<!tpu.dma_semaphore, #tpu.memory_space<semaphore_mem>>)
    %dma_start3A_52 = arith.constant 1 : i32
    %dma_start3A_53 = arith.constant 40 : i32
    %dma_start3A_54 = tpu.memref_slice %arg8[%dma_start3A_53] : memref<5000xi32, #tpu.memory_space<vmem>> -> memref<40xi32, #tpu.memory_space<vmem>>
    %dma_start3A_55 = arith.constant 0 : i32
    %dma_start3A_56 = arith.constant 0 : i32
    %dma_start3A_57 = tpu.memref_slice %arg2[%dma_start3A_55, %dma_start3A_56] : memref<10000x128xf32, #tpu.memory_space<hbm>> -> memref<10000x128xf32, #tpu.memory_space<hbm>>
    %dma_start3A_58 = tpu.memref_slice %arg17[%dma_start3A_52] : memref<2x!tpu.dma_semaphore, #tpu.memory_space<semaphore_mem>> -> memref<1x!tpu.dma_semaphore, #tpu.memory_space<semaphore_mem>>
    %dma_start3A_59 = tpu.memref_squeeze %dma_start3A_58 : memref<1x!tpu.dma_semaphore, #tpu.memory_space<semaphore_mem>> -> memref<!tpu.dma_semaphore, #tpu.memory_space<semaphore_mem>>
    tpu.enqueue_indirect_dma source(%dma_start3A_57 : memref<10000x128xf32, #tpu.memory_space<hbm>>) target(%arg12 : memref<40x128xf32, #tpu.memory_space<vmem>>) offsets(%dma_start3A_54 : memref<40xi32, #tpu.memory_space<vmem>>) semaphore(%dma_start3A_59 : memref<!tpu.dma_semaphore, #tpu.memory_space<semaphore_mem>>)
    %add3A_60 = arith.constant 40 : i32
    %add3A_61 = arith.addi %mul3A_6, %add3A_60 : i32
    %dma_start3A_62 = arith.constant 1 : i32
    %dma_start3A_63 = arith.constant 0 : i32
    %dma_start3A_64 = tpu.memref_slice %arg3[%add3A_61, %dma_start3A_63] : memref<160000x128xf32, #tpu.memory_space<hbm>> -> memref<40x128xf32, #tpu.memory_space<hbm>>
    %dma_start3A_65 = tpu.memref_slice %arg18[%dma_start3A_62] : memref<2x!tpu.dma_semaphore, #tpu.memory_space<semaphore_mem>> -> memref<1x!tpu.dma_semaphore, #tpu.memory_space<semaphore_mem>>
    %dma_start3A_66 = tpu.memref_squeeze %dma_start3A_65 : memref<1x!tpu.dma_semaphore, #tpu.memory_space<semaphore_mem>> -> memref<!tpu.dma_semaphore, #tpu.memory_space<semaphore_mem>>
    %dma_start3A_67 = arith.constant 0 : i32
    %dma_start3A_68 = tpu.memref_slice %arg3[%add3A_61, %dma_start3A_67] : memref<160000x128xf32, #tpu.memory_space<hbm>> -> memref<40x128xf32, #tpu.memory_space<hbm>>
    tpu.enqueue_dma source(%dma_start3A_68 : memref<40x128xf32, #tpu.memory_space<hbm>>) target(%arg14 : memref<40x128xf32, #tpu.memory_space<vmem>>) target_semaphore(%dma_start3A_66 : memref<!tpu.dma_semaphore, #tpu.memory_space<semaphore_mem>>)
    %scan3A = arith.constant 0 : i32
    %scan3A_69 = arith.constant 0 : i32
    %scan3A_70 = arith.constant 62 : i32
    %scan3A_71 = arith.addi %scan3A_69, %scan3A_70 : i32
    %scan3A_72 = arith.constant 1 : i32
    scf.for %scan3A_121 = %scan3A_69 to %scan3A_71 step %scan3A_72  : i32 {
      %mul3A_122 = arith.constant 2 : i32
      %mul3A_123 = arith.muli %scan3A_121, %mul3A_122 : i32
      %mul3A_124 = arith.constant 40 : i32
      %mul3A_125 = arith.muli %mul3A_123, %mul3A_124 : i32
      %add3A_126 = arith.addi %add3A_4, %mul3A_125 : i32
      %dma_wait3A_127 = arith.constant 0 : i32
      %dma_wait3A_128 = tpu.memref_slice %arg5[%add3A_126] : memref<320000xi32, #tpu.memory_space<hbm>> -> memref<40xi32, #tpu.memory_space<hbm>>
      %dma_wait3A_129 = tpu.memref_slice %arg16[%dma_wait3A_127] : memref<2x!tpu.dma_semaphore, #tpu.memory_space<semaphore_mem>> -> memref<1x!tpu.dma_semaphore, #tpu.memory_space<semaphore_mem>>
      %dma_wait3A_130 = tpu.memref_squeeze %dma_wait3A_129 : memref<1x!tpu.dma_semaphore, #tpu.memory_space<semaphore_mem>> -> memref<!tpu.dma_semaphore, #tpu.memory_space<semaphore_mem>>
      %dma_wait3A_131 = tpu.memref_slice %arg5[%add3A_126] : memref<320000xi32, #tpu.memory_space<hbm>> -> memref<40xi32, #tpu.memory_space<hbm>>
      tpu.wait_dma2 semaphore(%dma_wait3A_130 : memref<!tpu.dma_semaphore, #tpu.memory_space<semaphore_mem>>) src(%dma_wait3A_131 : memref<40xi32, #tpu.memory_space<hbm>>) dst(%arg9 : memref<40xi32, #tpu.memory_space<vmem>>)
      %mul3A_132 = arith.constant 40 : i32
      %mul3A_133 = arith.muli %mul3A_123, %mul3A_132 : i32
      %dma_wait3A_134 = arith.constant 0 : i32
      %dma_wait3A_135 = tpu.memref_slice %arg8[%mul3A_133] : memref<5000xi32, #tpu.memory_space<vmem>> -> memref<40xi32, #tpu.memory_space<vmem>>
      %dma_wait3A_136 = arith.constant 0 : i32
      %dma_wait3A_137 = arith.constant 0 : i32
      %dma_wait3A_138 = tpu.memref_slice %arg2[%dma_wait3A_136, %dma_wait3A_137] : memref<10000x128xf32, #tpu.memory_space<hbm>> -> memref<10000x128xf32, #tpu.memory_space<hbm>>
      %dma_wait3A_139 = tpu.memref_slice %arg17[%dma_wait3A_134] : memref<2x!tpu.dma_semaphore, #tpu.memory_space<semaphore_mem>> -> memref<1x!tpu.dma_semaphore, #tpu.memory_space<semaphore_mem>>
      %dma_wait3A_140 = tpu.memref_squeeze %dma_wait3A_139 : memref<1x!tpu.dma_semaphore, #tpu.memory_space<semaphore_mem>> -> memref<!tpu.dma_semaphore, #tpu.memory_space<semaphore_mem>>
      tpu.wait_indirect_dma semaphore(%dma_wait3A_140 : memref<!tpu.dma_semaphore, #tpu.memory_space<semaphore_mem>>) src(%dma_wait3A_138 : memref<10000x128xf32, #tpu.memory_space<hbm>>) dst(%arg11 : memref<40x128xf32, #tpu.memory_space<vmem>>)
      %mul3A_141 = arith.constant 40 : i32
      %mul3A_142 = arith.muli %mul3A_123, %mul3A_141 : i32
      %add3A_143 = arith.addi %mul3A_6, %mul3A_142 : i32
      %dma_wait3A_144 = arith.constant 0 : i32
      %dma_wait3A_145 = arith.constant 0 : i32
      %dma_wait3A_146 = tpu.memref_slice %arg3[%add3A_143, %dma_wait3A_145] : memref<160000x128xf32, #tpu.memory_space<hbm>> -> memref<40x128xf32, #tpu.memory_space<hbm>>
      %dma_wait3A_147 = tpu.memref_slice %arg18[%dma_wait3A_144] : memref<2x!tpu.dma_semaphore, #tpu.memory_space<semaphore_mem>> -> memref<1x!tpu.dma_semaphore, #tpu.memory_space<semaphore_mem>>
      %dma_wait3A_148 = tpu.memref_squeeze %dma_wait3A_147 : memref<1x!tpu.dma_semaphore, #tpu.memory_space<semaphore_mem>> -> memref<!tpu.dma_semaphore, #tpu.memory_space<semaphore_mem>>
      %dma_wait3A_149 = arith.constant 0 : i32
      %dma_wait3A_150 = tpu.memref_slice %arg3[%add3A_143, %dma_wait3A_149] : memref<160000x128xf32, #tpu.memory_space<hbm>> -> memref<40x128xf32, #tpu.memory_space<hbm>>
      tpu.wait_dma2 semaphore(%dma_wait3A_148 : memref<!tpu.dma_semaphore, #tpu.memory_space<semaphore_mem>>) src(%dma_wait3A_150 : memref<40x128xf32, #tpu.memory_space<hbm>>) dst(%arg13 : memref<40x128xf32, #tpu.memory_space<vmem>>)
      %dma_start3A_151 = arith.constant 0 : i32
      %dma_start3A_152 = arith.constant 0 : i32
      %dma_start3A_153 = arith.constant 0 : i32
      %dma_start3A_154 = tpu.memref_slice %arg15[%dma_start3A_152, %dma_start3A_153] : memref<10000x128xf32, #tpu.memory_space<vmem_shared>> -> memref<10000x128xf32, #tpu.memory_space<vmem_shared>>
      %dma_start3A_155 = tpu.memref_slice %arg19[%dma_start3A_151] : memref<2x!tpu.dma_semaphore, #tpu.memory_space<semaphore_mem>> -> memref<1x!tpu.dma_semaphore, #tpu.memory_space<semaphore_mem>>
      %dma_start3A_156 = tpu.memref_squeeze %dma_start3A_155 : memref<1x!tpu.dma_semaphore, #tpu.memory_space<semaphore_mem>> -> memref<!tpu.dma_semaphore, #tpu.memory_space<semaphore_mem>>
      tpu.enqueue_indirect_dma source(%arg13 : memref<40x128xf32, #tpu.memory_space<vmem>>) target(%dma_start3A_154 : memref<10000x128xf32, #tpu.memory_space<vmem_shared>>) offsets(%arg9 : memref<40xi32, #tpu.memory_space<vmem>>) semaphore(%dma_start3A_156 : memref<!tpu.dma_semaphore, #tpu.memory_space<semaphore_mem>>) {add = true}
      %dma_wait3A_157 = arith.constant 0 : i32
      %dma_wait3A_158 = arith.constant 0 : i32
      %dma_wait3A_159 = arith.constant 0 : i32
      %dma_wait3A_160 = tpu.memref_slice %arg15[%dma_wait3A_158, %dma_wait3A_159] : memref<10000x128xf32, #tpu.memory_space<vmem_shared>> -> memref<10000x128xf32, #tpu.memory_space<vmem_shared>>
      %dma_wait3A_161 = tpu.memref_slice %arg19[%dma_wait3A_157] : memref<2x!tpu.dma_semaphore, #tpu.memory_space<semaphore_mem>> -> memref<1x!tpu.dma_semaphore, #tpu.memory_space<semaphore_mem>>
      %dma_wait3A_162 = tpu.memref_squeeze %dma_wait3A_161 : memref<1x!tpu.dma_semaphore, #tpu.memory_space<semaphore_mem>> -> memref<!tpu.dma_semaphore, #tpu.memory_space<semaphore_mem>>
      tpu.wait_indirect_dma semaphore(%dma_wait3A_162 : memref<!tpu.dma_semaphore, #tpu.memory_space<semaphore_mem>>) src(%arg13 : memref<40x128xf32, #tpu.memory_space<vmem>>) dst(%dma_wait3A_160 : memref<10000x128xf32, #tpu.memory_space<vmem_shared>>)
      %add3A_163 = arith.constant 2 : i32
      %add3A_164 = arith.addi %mul3A_123, %add3A_163 : i32
      %lt3A_165 = arith.constant 125 : i32
      %lt3A_166 = arith.cmpi slt, %add3A_164, %lt3A_165 : i32
      %convert_element_type3A_167 = arith.extui %lt3A_166 : i1 to i32
      %cond3A_168 = arith.constant 0 : i32
      %cond3A_169 = arith.cmpi ne, %convert_element_type3A_167, %cond3A_168 : i32
      scf.if %cond3A_169 {
        %add3A_220 = arith.constant 2 : i32
        %add3A_221 = arith.addi %mul3A_123, %add3A_220 : i32
        %mul3A_222 = arith.constant 40 : i32
        %mul3A_223 = arith.muli %add3A_221, %mul3A_222 : i32
        %add3A_224 = arith.addi %add3A_4, %mul3A_223 : i32
        %dma_start3A_225 = arith.constant 0 : i32
        %dma_start3A_226 = tpu.memref_slice %arg5[%add3A_224] : memref<320000xi32, #tpu.memory_space<hbm>> -> memref<40xi32, #tpu.memory_space<hbm>>
        %dma_start3A_227 = tpu.memref_slice %arg16[%dma_start3A_225] : memref<2x!tpu.dma_semaphore, #tpu.memory_space<semaphore_mem>> -> memref<1x!tpu.dma_semaphore, #tpu.memory_space<semaphore_mem>>
        %dma_start3A_228 = tpu.memref_squeeze %dma_start3A_227 : memref<1x!tpu.dma_semaphore, #tpu.memory_space<semaphore_mem>> -> memref<!tpu.dma_semaphore, #tpu.memory_space<semaphore_mem>>
        %dma_start3A_229 = tpu.memref_slice %arg5[%add3A_224] : memref<320000xi32, #tpu.memory_space<hbm>> -> memref<40xi32, #tpu.memory_space<hbm>>
        tpu.enqueue_dma source(%dma_start3A_229 : memref<40xi32, #tpu.memory_space<hbm>>) target(%arg9 : memref<40xi32, #tpu.memory_space<vmem>>) target_semaphore(%dma_start3A_228 : memref<!tpu.dma_semaphore, #tpu.memory_space<semaphore_mem>>)
        %mul3A_230 = arith.constant 40 : i32
        %mul3A_231 = arith.muli %add3A_221, %mul3A_230 : i32
        %dma_start3A_232 = arith.constant 0 : i32
        %dma_start3A_233 = tpu.memref_slice %arg8[%mul3A_231] : memref<5000xi32, #tpu.memory_space<vmem>> -> memref<40xi32, #tpu.memory_space<vmem>>
        %dma_start3A_234 = arith.constant 0 : i32
        %dma_start3A_235 = arith.constant 0 : i32
        %dma_start3A_236 = tpu.memref_slice %arg2[%dma_start3A_234, %dma_start3A_235] : memref<10000x128xf32, #tpu.memory_space<hbm>> -> memref<10000x128xf32, #tpu.memory_space<hbm>>
        %dma_start3A_237 = tpu.memref_slice %arg17[%dma_start3A_232] : memref<2x!tpu.dma_semaphore, #tpu.memory_space<semaphore_mem>> -> memref<1x!tpu.dma_semaphore, #tpu.memory_space<semaphore_mem>>
        %dma_start3A_238 = tpu.memref_squeeze %dma_start3A_237 : memref<1x!tpu.dma_semaphore, #tpu.memory_space<semaphore_mem>> -> memref<!tpu.dma_semaphore, #tpu.memory_space<semaphore_mem>>
        tpu.enqueue_indirect_dma source(%dma_start3A_236 : memref<10000x128xf32, #tpu.memory_space<hbm>>) target(%arg11 : memref<40x128xf32, #tpu.memory_space<vmem>>) offsets(%dma_start3A_233 : memref<40xi32, #tpu.memory_space<vmem>>) semaphore(%dma_start3A_238 : memref<!tpu.dma_semaphore, #tpu.memory_space<semaphore_mem>>)
        %mul3A_239 = arith.constant 40 : i32
        %mul3A_240 = arith.muli %add3A_221, %mul3A_239 : i32
        %add3A_241 = arith.addi %mul3A_6, %mul3A_240 : i32
        %dma_start3A_242 = arith.constant 0 : i32
        %dma_start3A_243 = arith.constant 0 : i32
        %dma_start3A_244 = tpu.memref_slice %arg3[%add3A_241, %dma_start3A_243] : memref<160000x128xf32, #tpu.memory_space<hbm>> -> memref<40x128xf32, #tpu.memory_space<hbm>>
        %dma_start3A_245 = tpu.memref_slice %arg18[%dma_start3A_242] : memref<2x!tpu.dma_semaphore, #tpu.memory_space<semaphore_mem>> -> memref<1x!tpu.dma_semaphore, #tpu.memory_space<semaphore_mem>>
        %dma_start3A_246 = tpu.memref_squeeze %dma_start3A_245 : memref<1x!tpu.dma_semaphore, #tpu.memory_space<semaphore_mem>> -> memref<!tpu.dma_semaphore, #tpu.memory_space<semaphore_mem>>
        %dma_start3A_247 = arith.constant 0 : i32
        %dma_start3A_248 = tpu.memref_slice %arg3[%add3A_241, %dma_start3A_247] : memref<160000x128xf32, #tpu.memory_space<hbm>> -> memref<40x128xf32, #tpu.memory_space<hbm>>
        tpu.enqueue_dma source(%dma_start3A_248 : memref<40x128xf32, #tpu.memory_space<hbm>>) target(%arg13 : memref<40x128xf32, #tpu.memory_space<vmem>>) target_semaphore(%dma_start3A_246 : memref<!tpu.dma_semaphore, #tpu.memory_space<semaphore_mem>>)
      } else {
      }
      %mul3A_170 = arith.constant 2 : i32
      %mul3A_171 = arith.muli %scan3A_121, %mul3A_170 : i32
      %add3A_172 = arith.constant 1 : i32
      %add3A_173 = arith.addi %mul3A_171, %add3A_172 : i32
      %mul3A_174 = arith.constant 40 : i32
      %mul3A_175 = arith.muli %add3A_173, %mul3A_174 : i32
      %add3A_176 = arith.addi %add3A_4, %mul3A_175 : i32
      %dma_wait3A_177 = arith.constant 1 : i32
      %dma_wait3A_178 = tpu.memref_slice %arg5[%add3A_176] : memref<320000xi32, #tpu.memory_space<hbm>> -> memref<40xi32, #tpu.memory_space<hbm>>
      %dma_wait3A_179 = tpu.memref_slice %arg16[%dma_wait3A_177] : memref<2x!tpu.dma_semaphore, #tpu.memory_space<semaphore_mem>> -> memref<1x!tpu.dma_semaphore, #tpu.memory_space<semaphore_mem>>
      %dma_wait3A_180 = tpu.memref_squeeze %dma_wait3A_179 : memref<1x!tpu.dma_semaphore, #tpu.memory_space<semaphore_mem>> -> memref<!tpu.dma_semaphore, #tpu.memory_space<semaphore_mem>>
      %dma_wait3A_181 = tpu.memref_slice %arg5[%add3A_176] : memref<320000xi32, #tpu.memory_space<hbm>> -> memref<40xi32, #tpu.memory_space<hbm>>
      tpu.wait_dma2 semaphore(%dma_wait3A_180 : memref<!tpu.dma_semaphore, #tpu.memory_space<semaphore_mem>>) src(%dma_wait3A_181 : memref<40xi32, #tpu.memory_space<hbm>>) dst(%arg10 : memref<40xi32, #tpu.memory_space<vmem>>)
      %mul3A_182 = arith.constant 40 : i32
      %mul3A_183 = arith.muli %add3A_173, %mul3A_182 : i32
      %dma_wait3A_184 = arith.constant 1 : i32
      %dma_wait3A_185 = tpu.memref_slice %arg8[%mul3A_183] : memref<5000xi32, #tpu.memory_space<vmem>> -> memref<40xi32, #tpu.memory_space<vmem>>
      %dma_wait3A_186 = arith.constant 0 : i32
      %dma_wait3A_187 = arith.constant 0 : i32
      %dma_wait3A_188 = tpu.memref_slice %arg2[%dma_wait3A_186, %dma_wait3A_187] : memref<10000x128xf32, #tpu.memory_space<hbm>> -> memref<10000x128xf32, #tpu.memory_space<hbm>>
      %dma_wait3A_189 = tpu.memref_slice %arg17[%dma_wait3A_184] : memref<2x!tpu.dma_semaphore, #tpu.memory_space<semaphore_mem>> -> memref<1x!tpu.dma_semaphore, #tpu.memory_space<semaphore_mem>>
      %dma_wait3A_190 = tpu.memref_squeeze %dma_wait3A_189 : memref<1x!tpu.dma_semaphore, #tpu.memory_space<semaphore_mem>> -> memref<!tpu.dma_semaphore, #tpu.memory_space<semaphore_mem>>
      tpu.wait_indirect_dma semaphore(%dma_wait3A_190 : memref<!tpu.dma_semaphore, #tpu.memory_space<semaphore_mem>>) src(%dma_wait3A_188 : memref<10000x128xf32, #tpu.memory_space<hbm>>) dst(%arg12 : memref<40x128xf32, #tpu.memory_space<vmem>>)
      %mul3A_191 = arith.constant 40 : i32
      %mul3A_192 = arith.muli %add3A_173, %mul3A_191 : i32
      %add3A_193 = arith.addi %mul3A_6, %mul3A_192 : i32
      %dma_wait3A_194 = arith.constant 1 : i32
      %dma_wait3A_195 = arith.constant 0 : i32
      %dma_wait3A_196 = tpu.memref_slice %arg3[%add3A_193, %dma_wait3A_195] : memref<160000x128xf32, #tpu.memory_space<hbm>> -> memref<40x128xf32, #tpu.memory_space<hbm>>
      %dma_wait3A_197 = tpu.memref_slice %arg18[%dma_wait3A_194] : memref<2x!tpu.dma_semaphore, #tpu.memory_space<semaphore_mem>> -> memref<1x!tpu.dma_semaphore, #tpu.memory_space<semaphore_mem>>
      %dma_wait3A_198 = tpu.memref_squeeze %dma_wait3A_197 : memref<1x!tpu.dma_semaphore, #tpu.memory_space<semaphore_mem>> -> memref<!tpu.dma_semaphore, #tpu.memory_space<semaphore_mem>>
      %dma_wait3A_199 = arith.constant 0 : i32
      %dma_wait3A_200 = tpu.memref_slice %arg3[%add3A_193, %dma_wait3A_199] : memref<160000x128xf32, #tpu.memory_space<hbm>> -> memref<40x128xf32, #tpu.memory_space<hbm>>
      tpu.wait_dma2 semaphore(%dma_wait3A_198 : memref<!tpu.dma_semaphore, #tpu.memory_space<semaphore_mem>>) src(%dma_wait3A_200 : memref<40x128xf32, #tpu.memory_space<hbm>>) dst(%arg14 : memref<40x128xf32, #tpu.memory_space<vmem>>)
      %dma_start3A_201 = arith.constant 1 : i32
      %dma_start3A_202 = arith.constant 0 : i32
      %dma_start3A_203 = arith.constant 0 : i32
      %dma_start3A_204 = tpu.memref_slice %arg15[%dma_start3A_202, %dma_start3A_203] : memref<10000x128xf32, #tpu.memory_space<vmem_shared>> -> memref<10000x128xf32, #tpu.memory_space<vmem_shared>>
      %dma_start3A_205 = tpu.memref_slice %arg19[%dma_start3A_201] : memref<2x!tpu.dma_semaphore, #tpu.memory_space<semaphore_mem>> -> memref<1x!tpu.dma_semaphore, #tpu.memory_space<semaphore_mem>>
      %dma_start3A_206 = tpu.memref_squeeze %dma_start3A_205 : memref<1x!tpu.dma_semaphore, #tpu.memory_space<semaphore_mem>> -> memref<!tpu.dma_semaphore, #tpu.memory_space<semaphore_mem>>
      tpu.enqueue_indirect_dma source(%arg14 : memref<40x128xf32, #tpu.memory_space<vmem>>) target(%dma_start3A_204 : memref<10000x128xf32, #tpu.memory_space<vmem_shared>>) offsets(%arg10 : memref<40xi32, #tpu.memory_space<vmem>>) semaphore(%dma_start3A_206 : memref<!tpu.dma_semaphore, #tpu.memory_space<semaphore_mem>>) {add = true}
      %dma_wait3A_207 = arith.constant 1 : i32
      %dma_wait3A_208 = arith.constant 0 : i32
      %dma_wait3A_209 = arith.constant 0 : i32
      %dma_wait3A_210 = tpu.memref_slice %arg15[%dma_wait3A_208, %dma_wait3A_209] : memref<10000x128xf32, #tpu.memory_space<vmem_shared>> -> memref<10000x128xf32, #tpu.memory_space<vmem_shared>>
      %dma_wait3A_211 = tpu.memref_slice %arg19[%dma_wait3A_207] : memref<2x!tpu.dma_semaphore, #tpu.memory_space<semaphore_mem>> -> memref<1x!tpu.dma_semaphore, #tpu.memory_space<semaphore_mem>>
      %dma_wait3A_212 = tpu.memref_squeeze %dma_wait3A_211 : memref<1x!tpu.dma_semaphore, #tpu.memory_space<semaphore_mem>> -> memref<!tpu.dma_semaphore, #tpu.memory_space<semaphore_mem>>
      tpu.wait_indirect_dma semaphore(%dma_wait3A_212 : memref<!tpu.dma_semaphore, #tpu.memory_space<semaphore_mem>>) src(%arg14 : memref<40x128xf32, #tpu.memory_space<vmem>>) dst(%dma_wait3A_210 : memref<10000x128xf32, #tpu.memory_space<vmem_shared>>)
      %add3A_213 = arith.constant 2 : i32
      %add3A_214 = arith.addi %add3A_173, %add3A_213 : i32
      %lt3A_215 = arith.constant 125 : i32
      %lt3A_216 = arith.cmpi slt, %add3A_214, %lt3A_215 : i32
      %convert_element_type3A_217 = arith.extui %lt3A_216 : i1 to i32
      %cond3A_218 = arith.constant 0 : i32
      %cond3A_219 = arith.cmpi ne, %convert_element_type3A_217, %cond3A_218 : i32
      scf.if %cond3A_219 {
        %add3A_220 = arith.constant 2 : i32
        %add3A_221 = arith.addi %add3A_173, %add3A_220 : i32
        %mul3A_222 = arith.constant 40 : i32
        %mul3A_223 = arith.muli %add3A_221, %mul3A_222 : i32
        %add3A_224 = arith.addi %add3A_4, %mul3A_223 : i32
        %dma_start3A_225 = arith.constant 1 : i32
        %dma_start3A_226 = tpu.memref_slice %arg5[%add3A_224] : memref<320000xi32, #tpu.memory_space<hbm>> -> memref<40xi32, #tpu.memory_space<hbm>>
        %dma_start3A_227 = tpu.memref_slice %arg16[%dma_start3A_225] : memref<2x!tpu.dma_semaphore, #tpu.memory_space<semaphore_mem>> -> memref<1x!tpu.dma_semaphore, #tpu.memory_space<semaphore_mem>>
        %dma_start3A_228 = tpu.memref_squeeze %dma_start3A_227 : memref<1x!tpu.dma_semaphore, #tpu.memory_space<semaphore_mem>> -> memref<!tpu.dma_semaphore, #tpu.memory_space<semaphore_mem>>
        %dma_start3A_229 = tpu.memref_slice %arg5[%add3A_224] : memref<320000xi32, #tpu.memory_space<hbm>> -> memref<40xi32, #tpu.memory_space<hbm>>
        tpu.enqueue_dma source(%dma_start3A_229 : memref<40xi32, #tpu.memory_space<hbm>>) target(%arg10 : memref<40xi32, #tpu.memory_space<vmem>>) target_semaphore(%dma_start3A_228 : memref<!tpu.dma_semaphore, #tpu.memory_space<semaphore_mem>>)
        %mul3A_230 = arith.constant 40 : i32
        %mul3A_231 = arith.muli %add3A_221, %mul3A_230 : i32
        %dma_start3A_232 = arith.constant 1 : i32
        %dma_start3A_233 = tpu.memref_slice %arg8[%mul3A_231] : memref<5000xi32, #tpu.memory_space<vmem>> -> memref<40xi32, #tpu.memory_space<vmem>>
        %dma_start3A_234 = arith.constant 0 : i32
        %dma_start3A_235 = arith.constant 0 : i32
        %dma_start3A_236 = tpu.memref_slice %arg2[%dma_start3A_234, %dma_start3A_235] : memref<10000x128xf32, #tpu.memory_space<hbm>> -> memref<10000x128xf32, #tpu.memory_space<hbm>>
        %dma_start3A_237 = tpu.memref_slice %arg17[%dma_start3A_232] : memref<2x!tpu.dma_semaphore, #tpu.memory_space<semaphore_mem>> -> memref<1x!tpu.dma_semaphore, #tpu.memory_space<semaphore_mem>>
        %dma_start3A_238 = tpu.memref_squeeze %dma_start3A_237 : memref<1x!tpu.dma_semaphore, #tpu.memory_space<semaphore_mem>> -> memref<!tpu.dma_semaphore, #tpu.memory_space<semaphore_mem>>
        tpu.enqueue_indirect_dma source(%dma_start3A_236 : memref<10000x128xf32, #tpu.memory_space<hbm>>) target(%arg12 : memref<40x128xf32, #tpu.memory_space<vmem>>) offsets(%dma_start3A_233 : memref<40xi32, #tpu.memory_space<vmem>>) semaphore(%dma_start3A_238 : memref<!tpu.dma_semaphore, #tpu.memory_space<semaphore_mem>>)
        %mul3A_239 = arith.constant 40 : i32
        %mul3A_240 = arith.muli %add3A_221, %mul3A_239 : i32
        %add3A_241 = arith.addi %mul3A_6, %mul3A_240 : i32
        %dma_start3A_242 = arith.constant 1 : i32
        %dma_start3A_243 = arith.constant 0 : i32
        %dma_start3A_244 = tpu.memref_slice %arg3[%add3A_241, %dma_start3A_243] : memref<160000x128xf32, #tpu.memory_space<hbm>> -> memref<40x128xf32, #tpu.memory_space<hbm>>
        %dma_start3A_245 = tpu.memref_slice %arg18[%dma_start3A_242] : memref<2x!tpu.dma_semaphore, #tpu.memory_space<semaphore_mem>> -> memref<1x!tpu.dma_semaphore, #tpu.memory_space<semaphore_mem>>
        %dma_start3A_246 = tpu.memref_squeeze %dma_start3A_245 : memref<1x!tpu.dma_semaphore, #tpu.memory_space<semaphore_mem>> -> memref<!tpu.dma_semaphore, #tpu.memory_space<semaphore_mem>>
        %dma_start3A_247 = arith.constant 0 : i32
        %dma_start3A_248 = tpu.memref_slice %arg3[%add3A_241, %dma_start3A_247] : memref<160000x128xf32, #tpu.memory_space<hbm>> -> memref<40x128xf32, #tpu.memory_space<hbm>>
        tpu.enqueue_dma source(%dma_start3A_248 : memref<40x128xf32, #tpu.memory_space<hbm>>) target(%arg14 : memref<40x128xf32, #tpu.memory_space<vmem>>) target_semaphore(%dma_start3A_246 : memref<!tpu.dma_semaphore, #tpu.memory_space<semaphore_mem>>)
      } else {
      }
    }
    %scan3A_73 = arith.constant 62 : i32
    %add3A_74 = arith.constant 4960 : i32
    %add3A_75 = arith.addi %add3A_4, %add3A_74 : i32
    %dma_wait3A_76 = arith.constant 0 : i32
    %dma_wait3A_77 = tpu.memref_slice %arg5[%add3A_75] : memref<320000xi32, #tpu.memory_space<hbm>> -> memref<40xi32, #tpu.memory_space<hbm>>
    %dma_wait3A_78 = tpu.memref_slice %arg16[%dma_wait3A_76] : memref<2x!tpu.dma_semaphore, #tpu.memory_space<semaphore_mem>> -> memref<1x!tpu.dma_semaphore, #tpu.memory_space<semaphore_mem>>
    %dma_wait3A_79 = tpu.memref_squeeze %dma_wait3A_78 : memref<1x!tpu.dma_semaphore, #tpu.memory_space<semaphore_mem>> -> memref<!tpu.dma_semaphore, #tpu.memory_space<semaphore_mem>>
    %dma_wait3A_80 = tpu.memref_slice %arg5[%add3A_75] : memref<320000xi32, #tpu.memory_space<hbm>> -> memref<40xi32, #tpu.memory_space<hbm>>
    tpu.wait_dma2 semaphore(%dma_wait3A_79 : memref<!tpu.dma_semaphore, #tpu.memory_space<semaphore_mem>>) src(%dma_wait3A_80 : memref<40xi32, #tpu.memory_space<hbm>>) dst(%arg9 : memref<40xi32, #tpu.memory_space<vmem>>)
    %dma_wait3A_81 = arith.constant 0 : i32
    %dma_wait3A_82 = arith.constant 4960 : i32
    %dma_wait3A_83 = tpu.memref_slice %arg8[%dma_wait3A_82] : memref<5000xi32, #tpu.memory_space<vmem>> -> memref<40xi32, #tpu.memory_space<vmem>>
    %dma_wait3A_84 = arith.constant 0 : i32
    %dma_wait3A_85 = arith.constant 0 : i32
    %dma_wait3A_86 = tpu.memref_slice %arg2[%dma_wait3A_84, %dma_wait3A_85] : memref<10000x128xf32, #tpu.memory_space<hbm>> -> memref<10000x128xf32, #tpu.memory_space<hbm>>
    %dma_wait3A_87 = tpu.memref_slice %arg17[%dma_wait3A_81] : memref<2x!tpu.dma_semaphore, #tpu.memory_space<semaphore_mem>> -> memref<1x!tpu.dma_semaphore, #tpu.memory_space<semaphore_mem>>
    %dma_wait3A_88 = tpu.memref_squeeze %dma_wait3A_87 : memref<1x!tpu.dma_semaphore, #tpu.memory_space<semaphore_mem>> -> memref<!tpu.dma_semaphore, #tpu.memory_space<semaphore_mem>>
    tpu.wait_indirect_dma semaphore(%dma_wait3A_88 : memref<!tpu.dma_semaphore, #tpu.memory_space<semaphore_mem>>) src(%dma_wait3A_86 : memref<10000x128xf32, #tpu.memory_space<hbm>>) dst(%arg11 : memref<40x128xf32, #tpu.memory_space<vmem>>)
    %add3A_89 = arith.constant 4960 : i32
    %add3A_90 = arith.addi %mul3A_6, %add3A_89 : i32
    %dma_wait3A_91 = arith.constant 0 : i32
    %dma_wait3A_92 = arith.constant 0 : i32
    %dma_wait3A_93 = tpu.memref_slice %arg3[%add3A_90, %dma_wait3A_92] : memref<160000x128xf32, #tpu.memory_space<hbm>> -> memref<40x128xf32, #tpu.memory_space<hbm>>
    %dma_wait3A_94 = tpu.memref_slice %arg18[%dma_wait3A_91] : memref<2x!tpu.dma_semaphore, #tpu.memory_space<semaphore_mem>> -> memref<1x!tpu.dma_semaphore, #tpu.memory_space<semaphore_mem>>
    %dma_wait3A_95 = tpu.memref_squeeze %dma_wait3A_94 : memref<1x!tpu.dma_semaphore, #tpu.memory_space<semaphore_mem>> -> memref<!tpu.dma_semaphore, #tpu.memory_space<semaphore_mem>>
    %dma_wait3A_96 = arith.constant 0 : i32
    %dma_wait3A_97 = tpu.memref_slice %arg3[%add3A_90, %dma_wait3A_96] : memref<160000x128xf32, #tpu.memory_space<hbm>> -> memref<40x128xf32, #tpu.memory_space<hbm>>
    tpu.wait_dma2 semaphore(%dma_wait3A_95 : memref<!tpu.dma_semaphore, #tpu.memory_space<semaphore_mem>>) src(%dma_wait3A_97 : memref<40x128xf32, #tpu.memory_space<hbm>>) dst(%arg13 : memref<40x128xf32, #tpu.memory_space<vmem>>)
    %dma_start3A_98 = arith.constant 0 : i32
    %dma_start3A_99 = arith.constant 0 : i32
    %dma_start3A_100 = arith.constant 0 : i32
    %dma_start3A_101 = tpu.memref_slice %arg15[%dma_start3A_99, %dma_start3A_100] : memref<10000x128xf32, #tpu.memory_space<vmem_shared>> -> memref<10000x128xf32, #tpu.memory_space<vmem_shared>>
    %dma_start3A_102 = tpu.memref_slice %arg19[%dma_start3A_98] : memref<2x!tpu.dma_semaphore, #tpu.memory_space<semaphore_mem>> -> memref<1x!tpu.dma_semaphore, #tpu.memory_space<semaphore_mem>>
    %dma_start3A_103 = tpu.memref_squeeze %dma_start3A_102 : memref<1x!tpu.dma_semaphore, #tpu.memory_space<semaphore_mem>> -> memref<!tpu.dma_semaphore, #tpu.memory_space<semaphore_mem>>
    tpu.enqueue_indirect_dma source(%arg13 : memref<40x128xf32, #tpu.memory_space<vmem>>) target(%dma_start3A_101 : memref<10000x128xf32, #tpu.memory_space<vmem_shared>>) offsets(%arg9 : memref<40xi32, #tpu.memory_space<vmem>>) semaphore(%dma_start3A_103 : memref<!tpu.dma_semaphore, #tpu.memory_space<semaphore_mem>>) {add = true}
    %dma_wait3A_104 = arith.constant 0 : i32
    %dma_wait3A_105 = arith.constant 0 : i32
    %dma_wait3A_106 = arith.constant 0 : i32
    %dma_wait3A_107 = tpu.memref_slice %arg15[%dma_wait3A_105, %dma_wait3A_106] : memref<10000x128xf32, #tpu.memory_space<vmem_shared>> -> memref<10000x128xf32, #tpu.memory_space<vmem_shared>>
    %dma_wait3A_108 = tpu.memref_slice %arg19[%dma_wait3A_104] : memref<2x!tpu.dma_semaphore, #tpu.memory_space<semaphore_mem>> -> memref<1x!tpu.dma_semaphore, #tpu.memory_space<semaphore_mem>>
    %dma_wait3A_109 = tpu.memref_squeeze %dma_wait3A_108 : memref<1x!tpu.dma_semaphore, #tpu.memory_space<semaphore_mem>> -> memref<!tpu.dma_semaphore, #tpu.memory_space<semaphore_mem>>
    tpu.wait_indirect_dma semaphore(%dma_wait3A_109 : memref<!tpu.dma_semaphore, #tpu.memory_space<semaphore_mem>>) src(%arg13 : memref<40x128xf32, #tpu.memory_space<vmem>>) dst(%dma_wait3A_107 : memref<10000x128xf32, #tpu.memory_space<vmem_shared>>)
    %barrier3A_110 = arith.constant 0 : index
    tpu.barrier barrier_id(%barrier3A_110)
    %lt3A_111 = arith.constant 15 : i32
    %lt3A_112 = arith.cmpi slt, %arg1, %lt3A_111 : i32
    %convert_element_type3A_113 = arith.extui %lt3A_112 : i1 to i32
    %cond3A_114 = arith.constant 0 : i32
    %cond3A_115 = arith.cmpi ne, %convert_element_type3A_113, %cond3A_114 : i32
    scf.if %cond3A_115 {
      %mul3A_121 = arith.constant 640 : i32
      %mul3A_122 = arith.muli %arg1, %mul3A_121 : i32
      %mul3A_123 = arith.constant 640 : i32
      %mul3A_124 = arith.muli %arg1, %mul3A_123 : i32
      "tpu.region"() ({
        %run_scoped3A = tpu.sem_alloc : memref<!tpu.dma_semaphore, #tpu.memory_space<semaphore_mem>>
        %dma_start3A_125 = arith.constant 0 : i32
        %dma_start3A_126 = tpu.memref_slice %arg7[%arg0, %mul3A_124, %dma_start3A_125] : memref<2x10000x128xf32, #tpu.memory_space<hbm>> -> memref<1x640x128xf32, #tpu.memory_space<hbm>>
        %dma_start3A_127 = tpu.memref_squeeze %dma_start3A_126 : memref<1x640x128xf32, #tpu.memory_space<hbm>> -> memref<640x128xf32, #tpu.memory_space<hbm>>
        %dma_start3A_128 = arith.constant 0 : i32
        %dma_start3A_129 = tpu.memref_slice %arg15[%mul3A_122, %dma_start3A_128] : memref<10000x128xf32, #tpu.memory_space<vmem_shared>> -> memref<640x128xf32, #tpu.memory_space<vmem_shared>>
        tpu.enqueue_dma source(%dma_start3A_129 : memref<640x128xf32, #tpu.memory_space<vmem_shared>>) target(%dma_start3A_127 : memref<640x128xf32, #tpu.memory_space<hbm>>) target_semaphore(%run_scoped3A : memref<!tpu.dma_semaphore, #tpu.memory_space<semaphore_mem>>)
        %dma_wait3A_130 = arith.constant 0 : i32
        %dma_wait3A_131 = tpu.memref_slice %arg7[%arg0, %mul3A_124, %dma_wait3A_130] : memref<2x10000x128xf32, #tpu.memory_space<hbm>> -> memref<1x640x128xf32, #tpu.memory_space<hbm>>
        %dma_wait3A_132 = tpu.memref_squeeze %dma_wait3A_131 : memref<1x640x128xf32, #tpu.memory_space<hbm>> -> memref<640x128xf32, #tpu.memory_space<hbm>>
        %dma_wait3A_133 = arith.constant 0 : i32
        %dma_wait3A_134 = tpu.memref_slice %arg15[%mul3A_122, %dma_wait3A_133] : memref<10000x128xf32, #tpu.memory_space<vmem_shared>> -> memref<640x128xf32, #tpu.memory_space<vmem_shared>>
        tpu.wait_dma2 semaphore(%run_scoped3A : memref<!tpu.dma_semaphore, #tpu.memory_space<semaphore_mem>>) src(%dma_wait3A_134 : memref<640x128xf32, #tpu.memory_space<vmem_shared>>) dst(%dma_wait3A_132 : memref<640x128xf32, #tpu.memory_space<hbm>>)
        tpu.yield
      }) : () -> ()
    } else {
    }
    %eq3A_116 = arith.constant 15 : i32
    %eq3A_117 = arith.cmpi eq, %arg1, %eq3A_116 : i32
    %convert_element_type3A_118 = arith.extui %eq3A_117 : i1 to i32
    %cond3A_119 = arith.constant 0 : i32
    %cond3A_120 = arith.cmpi ne, %convert_element_type3A_118, %cond3A_119 : i32
    scf.if %cond3A_120 {
      "tpu.region"() ({
        %run_scoped3A = tpu.sem_alloc : memref<!tpu.dma_semaphore, #tpu.memory_space<semaphore_mem>>
        %dma_start3A_121 = arith.constant 9600 : i32
        %dma_start3A_122 = arith.constant 0 : i32
        %dma_start3A_123 = tpu.memref_slice %arg7[%arg0, %dma_start3A_121, %dma_start3A_122] : memref<2x10000x128xf32, #tpu.memory_space<hbm>> -> memref<1x400x128xf32, #tpu.memory_space<hbm>>
        %dma_start3A_124 = tpu.memref_squeeze %dma_start3A_123 : memref<1x400x128xf32, #tpu.memory_space<hbm>> -> memref<400x128xf32, #tpu.memory_space<hbm>>
        %dma_start3A_125 = arith.constant 9600 : i32
        %dma_start3A_126 = arith.constant 0 : i32
        %dma_start3A_127 = tpu.memref_slice %arg15[%dma_start3A_125, %dma_start3A_126] : memref<10000x128xf32, #tpu.memory_space<vmem_shared>> -> memref<400x128xf32, #tpu.memory_space<vmem_shared>>
        tpu.enqueue_dma source(%dma_start3A_127 : memref<400x128xf32, #tpu.memory_space<vmem_shared>>) target(%dma_start3A_124 : memref<400x128xf32, #tpu.memory_space<hbm>>) target_semaphore(%run_scoped3A : memref<!tpu.dma_semaphore, #tpu.memory_space<semaphore_mem>>)
        %dma_wait3A_128 = arith.constant 9600 : i32
        %dma_wait3A_129 = arith.constant 0 : i32
        %dma_wait3A_130 = tpu.memref_slice %arg7[%arg0, %dma_wait3A_128, %dma_wait3A_129] : memref<2x10000x128xf32, #tpu.memory_space<hbm>> -> memref<1x400x128xf32, #tpu.memory_space<hbm>>
        %dma_wait3A_131 = tpu.memref_squeeze %dma_wait3A_130 : memref<1x400x128xf32, #tpu.memory_space<hbm>> -> memref<400x128xf32, #tpu.memory_space<hbm>>
        %dma_wait3A_132 = arith.constant 9600 : i32
        %dma_wait3A_133 = arith.constant 0 : i32
        %dma_wait3A_134 = tpu.memref_slice %arg15[%dma_wait3A_132, %dma_wait3A_133] : memref<10000x128xf32, #tpu.memory_space<vmem_shared>> -> memref<400x128xf32, #tpu.memory_space<vmem_shared>>
        tpu.wait_dma2 semaphore(%run_scoped3A : memref<!tpu.dma_semaphore, #tpu.memory_space<semaphore_mem>>) src(%dma_wait3A_134 : memref<400x128xf32, #tpu.memory_space<vmem_shared>>) dst(%dma_wait3A_131 : memref<400x128xf32, #tpu.memory_space<hbm>>)
        tpu.yield
      }) : () -> ()
    } else {
    }
    return
  }
}

#map = affine_map<(d0, d1) -> (0, 0)>
#map1 = affine_map<(d0, d1) -> (0)>
#map2 = affine_map<(d0, d1) -> (0, 0, 0)>
module attributes {stable_mosaic.version = 14 : i64} {
  func.func @sc_aggregate(%arg0: i32, %arg1: i32, %arg2: memref<10000x128xf32, #tpu.memory_space<hbm>>, %arg3: memref<160000x128xf32, #tpu.memory_space<hbm>>, %arg4: memref<320000xi32, #tpu.memory_space<hbm>>, %arg5: memref<320000xi32, #tpu.memory_space<hbm>>, %arg6: memref<2x10000x128xf32, #tpu.memory_space<hbm>>, %arg7: memref<2x10000x128xf32, #tpu.memory_space<hbm>>, %arg8: memref<5000xi32, #tpu.memory_space<vmem>>, %arg9: memref<40xi32, #tpu.memory_space<vmem>>, %arg10: memref<40xi32, #tpu.memory_space<vmem>>, %arg11: memref<40x128xf32, #tpu.memory_space<vmem>>, %arg12: memref<40x128xf32, #tpu.memory_space<vmem>>, %arg13: memref<40x128xf32, #tpu.memory_space<vmem>>, %arg14: memref<40x128xf32, #tpu.memory_space<vmem>>, %arg15: memref<10000x128xf32, #tpu.memory_space<vmem_shared>>, %arg16: memref<2x!tpu.dma_semaphore, #tpu.memory_space<semaphore_mem>>, %arg17: memref<2x!tpu.dma_semaphore, #tpu.memory_space<semaphore_mem>>, %arg18: memref<2x!tpu.dma_semaphore, #tpu.memory_space<semaphore_mem>>, %arg19: memref<2x!tpu.dma_semaphore, #tpu.memory_space<semaphore_mem>>) attributes {dimension_semantics = [#tpu.dimension_semantics<core_parallel>, #tpu.dimension_semantics<subcore_parallel>], iteration_bounds = array<i64: 2, 16>, scalar_prefetch = 0 : i64, scratch_operands = 12 : i64, tpu.core_type = #tpu.core_type<sc_vector_subcore>, window_params = [{transform_indices = #map}, {transform_indices = #map}, {transform_indices = #map1}, {transform_indices = #map1}, {transform_indices = #map2}, {transform_indices = #map2}]} {
    %mul3A = arith.constant 2 : i32
    %mul3A_0 = arith.muli %arg1, %mul3A : i32
    %add3A = arith.addi %mul3A_0, %arg0 : i32
    %mul3A_1 = arith.constant 5000 : i32
    %mul3A_2 = arith.muli %add3A, %mul3A_1 : i32
    %add3A_3 = arith.constant 160000 : i32
    %add3A_4 = arith.addi %add3A_3, %mul3A_2 : i32
    %mul3A_5 = arith.constant 5000 : i32
    %mul3A_6 = arith.muli %add3A, %mul3A_5 : i32
    %dma_start3A = arith.constant 0 : i32
    %dma_start3A_7 = tpu.memref_slice %arg4[%add3A_4] : memref<320000xi32, #tpu.memory_space<hbm>> -> memref<5000xi32, #tpu.memory_space<hbm>>
    %dma_start3A_8 = tpu.memref_slice %arg17[%dma_start3A] : memref<2x!tpu.dma_semaphore, #tpu.memory_space<semaphore_mem>> -> memref<1x!tpu.dma_semaphore, #tpu.memory_space<semaphore_mem>>
    %dma_start3A_9 = tpu.memref_squeeze %dma_start3A_8 : memref<1x!tpu.dma_semaphore, #tpu.memory_space<semaphore_mem>> -> memref<!tpu.dma_semaphore, #tpu.memory_space<semaphore_mem>>
    %dma_start3A_10 = tpu.memref_slice %arg4[%add3A_4] : memref<320000xi32, #tpu.memory_space<hbm>> -> memref<5000xi32, #tpu.memory_space<hbm>>
    tpu.enqueue_dma source(%dma_start3A_10 : memref<5000xi32, #tpu.memory_space<hbm>>) target(%arg8 : memref<5000xi32, #tpu.memory_space<vmem>>) target_semaphore(%dma_start3A_9 : memref<!tpu.dma_semaphore, #tpu.memory_space<semaphore_mem>>)
    %lt3A = arith.constant 15 : i32
    %lt3A_11 = arith.cmpi slt, %arg1, %lt3A : i32
    %convert_element_type3A = arith.extui %lt3A_11 : i1 to i32
    %cond3A = arith.constant 0 : i32
    %cond3A_12 = arith.cmpi ne, %convert_element_type3A, %cond3A : i32
    scf.if %cond3A_12 {
      %mul3A_121 = arith.constant 640 : i32
      %mul3A_122 = arith.muli %arg1, %mul3A_121 : i32
      %mul3A_123 = arith.constant 640 : i32
      %mul3A_124 = arith.muli %arg1, %mul3A_123 : i32
      %dma_start3A_125 = arith.constant 0 : i32
      %dma_start3A_126 = tpu.memref_slice %arg16[%dma_start3A_125] : memref<2x!tpu.dma_semaphore, #tpu.memory_space<semaphore_mem>> -> memref<1x!tpu.dma_semaphore, #tpu.memory_space<semaphore_mem>>
      %dma_start3A_127 = tpu.memref_squeeze %dma_start3A_126 : memref<1x!tpu.dma_semaphore, #tpu.memory_space<semaphore_mem>> -> memref<!tpu.dma_semaphore, #tpu.memory_space<semaphore_mem>>
      %dma_start3A_128 = arith.constant 0 : i32
      %dma_start3A_129 = tpu.memref_slice %arg15[%mul3A_124, %dma_start3A_128] : memref<10000x128xf32, #tpu.memory_space<vmem_shared>> -> memref<640x128xf32, #tpu.memory_space<vmem_shared>>
      %dma_start3A_130 = arith.constant 0 : i32
      %dma_start3A_131 = tpu.memref_slice %arg6[%arg0, %mul3A_122, %dma_start3A_130] : memref<2x10000x128xf32, #tpu.memory_space<hbm>> -> memref<1x640x128xf32, #tpu.memory_space<hbm>>
      %dma_start3A_132 = tpu.memref_squeeze %dma_start3A_131 : memref<1x640x128xf32, #tpu.memory_space<hbm>> -> memref<640x128xf32, #tpu.memory_space<hbm>>
      tpu.enqueue_dma source(%dma_start3A_132 : memref<640x128xf32, #tpu.memory_space<hbm>>) target(%dma_start3A_129 : memref<640x128xf32, #tpu.memory_space<vmem_shared>>) target_semaphore(%dma_start3A_127 : memref<!tpu.dma_semaphore, #tpu.memory_space<semaphore_mem>>)
      %mul3A_133 = arith.constant 640 : i32
      %mul3A_134 = arith.muli %arg1, %mul3A_133 : i32
      %mul3A_135 = arith.constant 640 : i32
      %mul3A_136 = arith.muli %arg1, %mul3A_135 : i32
      %dma_wait3A_137 = arith.constant 0 : i32
      %dma_wait3A_138 = tpu.memref_slice %arg16[%dma_wait3A_137] : memref<2x!tpu.dma_semaphore, #tpu.memory_space<semaphore_mem>> -> memref<1x!tpu.dma_semaphore, #tpu.memory_space<semaphore_mem>>
      %dma_wait3A_139 = tpu.memref_squeeze %dma_wait3A_138 : memref<1x!tpu.dma_semaphore, #tpu.memory_space<semaphore_mem>> -> memref<!tpu.dma_semaphore, #tpu.memory_space<semaphore_mem>>
      %dma_wait3A_140 = arith.constant 0 : i32
      %dma_wait3A_141 = tpu.memref_slice %arg15[%mul3A_136, %dma_wait3A_140] : memref<10000x128xf32, #tpu.memory_space<vmem_shared>> -> memref<640x128xf32, #tpu.memory_space<vmem_shared>>
      %dma_wait3A_142 = arith.constant 0 : i32
      %dma_wait3A_143 = tpu.memref_slice %arg6[%arg0, %mul3A_134, %dma_wait3A_142] : memref<2x10000x128xf32, #tpu.memory_space<hbm>> -> memref<1x640x128xf32, #tpu.memory_space<hbm>>
      %dma_wait3A_144 = tpu.memref_squeeze %dma_wait3A_143 : memref<1x640x128xf32, #tpu.memory_space<hbm>> -> memref<640x128xf32, #tpu.memory_space<hbm>>
      tpu.wait_dma2 semaphore(%dma_wait3A_139 : memref<!tpu.dma_semaphore, #tpu.memory_space<semaphore_mem>>) src(%dma_wait3A_144 : memref<640x128xf32, #tpu.memory_space<hbm>>) dst(%dma_wait3A_141 : memref<640x128xf32, #tpu.memory_space<vmem_shared>>)
    } else {
    }
    %eq3A = arith.constant 15 : i32
    %eq3A_13 = arith.cmpi eq, %arg1, %eq3A : i32
    %convert_element_type3A_14 = arith.extui %eq3A_13 : i1 to i32
    %cond3A_15 = arith.constant 0 : i32
    %cond3A_16 = arith.cmpi ne, %convert_element_type3A_14, %cond3A_15 : i32
    scf.if %cond3A_16 {
      %dma_start3A_121 = arith.constant 0 : i32
      %dma_start3A_122 = tpu.memref_slice %arg16[%dma_start3A_121] : memref<2x!tpu.dma_semaphore, #tpu.memory_space<semaphore_mem>> -> memref<1x!tpu.dma_semaphore, #tpu.memory_space<semaphore_mem>>
      %dma_start3A_123 = tpu.memref_squeeze %dma_start3A_122 : memref<1x!tpu.dma_semaphore, #tpu.memory_space<semaphore_mem>> -> memref<!tpu.dma_semaphore, #tpu.memory_space<semaphore_mem>>
      %dma_start3A_124 = arith.constant 9600 : i32
      %dma_start3A_125 = arith.constant 0 : i32
      %dma_start3A_126 = tpu.memref_slice %arg15[%dma_start3A_124, %dma_start3A_125] : memref<10000x128xf32, #tpu.memory_space<vmem_shared>> -> memref<400x128xf32, #tpu.memory_space<vmem_shared>>
      %dma_start3A_127 = arith.constant 9600 : i32
      %dma_start3A_128 = arith.constant 0 : i32
      %dma_start3A_129 = tpu.memref_slice %arg6[%arg0, %dma_start3A_127, %dma_start3A_128] : memref<2x10000x128xf32, #tpu.memory_space<hbm>> -> memref<1x400x128xf32, #tpu.memory_space<hbm>>
      %dma_start3A_130 = tpu.memref_squeeze %dma_start3A_129 : memref<1x400x128xf32, #tpu.memory_space<hbm>> -> memref<400x128xf32, #tpu.memory_space<hbm>>
      tpu.enqueue_dma source(%dma_start3A_130 : memref<400x128xf32, #tpu.memory_space<hbm>>) target(%dma_start3A_126 : memref<400x128xf32, #tpu.memory_space<vmem_shared>>) target_semaphore(%dma_start3A_123 : memref<!tpu.dma_semaphore, #tpu.memory_space<semaphore_mem>>)
      %dma_wait3A_131 = arith.constant 0 : i32
      %dma_wait3A_132 = tpu.memref_slice %arg16[%dma_wait3A_131] : memref<2x!tpu.dma_semaphore, #tpu.memory_space<semaphore_mem>> -> memref<1x!tpu.dma_semaphore, #tpu.memory_space<semaphore_mem>>
      %dma_wait3A_133 = tpu.memref_squeeze %dma_wait3A_132 : memref<1x!tpu.dma_semaphore, #tpu.memory_space<semaphore_mem>> -> memref<!tpu.dma_semaphore, #tpu.memory_space<semaphore_mem>>
      %dma_wait3A_134 = arith.constant 9600 : i32
      %dma_wait3A_135 = arith.constant 0 : i32
      %dma_wait3A_136 = tpu.memref_slice %arg15[%dma_wait3A_134, %dma_wait3A_135] : memref<10000x128xf32, #tpu.memory_space<vmem_shared>> -> memref<400x128xf32, #tpu.memory_space<vmem_shared>>
      %dma_wait3A_137 = arith.constant 9600 : i32
      %dma_wait3A_138 = arith.constant 0 : i32
      %dma_wait3A_139 = tpu.memref_slice %arg6[%arg0, %dma_wait3A_137, %dma_wait3A_138] : memref<2x10000x128xf32, #tpu.memory_space<hbm>> -> memref<1x400x128xf32, #tpu.memory_space<hbm>>
      %dma_wait3A_140 = tpu.memref_squeeze %dma_wait3A_139 : memref<1x400x128xf32, #tpu.memory_space<hbm>> -> memref<400x128xf32, #tpu.memory_space<hbm>>
      tpu.wait_dma2 semaphore(%dma_wait3A_133 : memref<!tpu.dma_semaphore, #tpu.memory_space<semaphore_mem>>) src(%dma_wait3A_140 : memref<400x128xf32, #tpu.memory_space<hbm>>) dst(%dma_wait3A_136 : memref<400x128xf32, #tpu.memory_space<vmem_shared>>)
    } else {
    }
    %dma_wait3A = arith.constant 0 : i32
    %dma_wait3A_17 = tpu.memref_slice %arg4[%add3A_4] : memref<320000xi32, #tpu.memory_space<hbm>> -> memref<5000xi32, #tpu.memory_space<hbm>>
    %dma_wait3A_18 = tpu.memref_slice %arg17[%dma_wait3A] : memref<2x!tpu.dma_semaphore, #tpu.memory_space<semaphore_mem>> -> memref<1x!tpu.dma_semaphore, #tpu.memory_space<semaphore_mem>>
    %dma_wait3A_19 = tpu.memref_squeeze %dma_wait3A_18 : memref<1x!tpu.dma_semaphore, #tpu.memory_space<semaphore_mem>> -> memref<!tpu.dma_semaphore, #tpu.memory_space<semaphore_mem>>
    %dma_wait3A_20 = tpu.memref_slice %arg4[%add3A_4] : memref<320000xi32, #tpu.memory_space<hbm>> -> memref<5000xi32, #tpu.memory_space<hbm>>
    tpu.wait_dma2 semaphore(%dma_wait3A_19 : memref<!tpu.dma_semaphore, #tpu.memory_space<semaphore_mem>>) src(%dma_wait3A_20 : memref<5000xi32, #tpu.memory_space<hbm>>) dst(%arg8 : memref<5000xi32, #tpu.memory_space<vmem>>)
    %barrier3A = arith.constant 0 : index
    tpu.barrier barrier_id(%barrier3A)
    %add3A_21 = arith.constant 0 : i32
    %add3A_22 = arith.addi %add3A_4, %add3A_21 : i32
    %dma_start3A_23 = arith.constant 0 : i32
    %dma_start3A_24 = tpu.memref_slice %arg5[%add3A_22] : memref<320000xi32, #tpu.memory_space<hbm>> -> memref<40xi32, #tpu.memory_space<hbm>>
    %dma_start3A_25 = tpu.memref_slice %arg16[%dma_start3A_23] : memref<2x!tpu.dma_semaphore, #tpu.memory_space<semaphore_mem>> -> memref<1x!tpu.dma_semaphore, #tpu.memory_space<semaphore_mem>>
    %dma_start3A_26 = tpu.memref_squeeze %dma_start3A_25 : memref<1x!tpu.dma_semaphore, #tpu.memory_space<semaphore_mem>> -> memref<!tpu.dma_semaphore, #tpu.memory_space<semaphore_mem>>
    %dma_start3A_27 = tpu.memref_slice %arg5[%add3A_22] : memref<320000xi32, #tpu.memory_space<hbm>> -> memref<40xi32, #tpu.memory_space<hbm>>
    tpu.enqueue_dma source(%dma_start3A_27 : memref<40xi32, #tpu.memory_space<hbm>>) target(%arg9 : memref<40xi32, #tpu.memory_space<vmem>>) target_semaphore(%dma_start3A_26 : memref<!tpu.dma_semaphore, #tpu.memory_space<semaphore_mem>>)
    %dma_start3A_28 = arith.constant 0 : i32
    %dma_start3A_29 = arith.constant 0 : i32
    %dma_start3A_30 = tpu.memref_slice %arg8[%dma_start3A_29] : memref<5000xi32, #tpu.memory_space<vmem>> -> memref<40xi32, #tpu.memory_space<vmem>>
    %dma_start3A_31 = arith.constant 0 : i32
    %dma_start3A_32 = arith.constant 0 : i32
    %dma_start3A_33 = tpu.memref_slice %arg2[%dma_start3A_31, %dma_start3A_32] : memref<10000x128xf32, #tpu.memory_space<hbm>> -> memref<10000x128xf32, #tpu.memory_space<hbm>>
    %dma_start3A_34 = tpu.memref_slice %arg17[%dma_start3A_28] : memref<2x!tpu.dma_semaphore, #tpu.memory_space<semaphore_mem>> -> memref<1x!tpu.dma_semaphore, #tpu.memory_space<semaphore_mem>>
    %dma_start3A_35 = tpu.memref_squeeze %dma_start3A_34 : memref<1x!tpu.dma_semaphore, #tpu.memory_space<semaphore_mem>> -> memref<!tpu.dma_semaphore, #tpu.memory_space<semaphore_mem>>
    tpu.enqueue_indirect_dma source(%dma_start3A_33 : memref<10000x128xf32, #tpu.memory_space<hbm>>) target(%arg11 : memref<40x128xf32, #tpu.memory_space<vmem>>) offsets(%dma_start3A_30 : memref<40xi32, #tpu.memory_space<vmem>>) semaphore(%dma_start3A_35 : memref<!tpu.dma_semaphore, #tpu.memory_space<semaphore_mem>>)
    %add3A_36 = arith.constant 0 : i32
    %add3A_37 = arith.addi %mul3A_6, %add3A_36 : i32
    %dma_start3A_38 = arith.constant 0 : i32
    %dma_start3A_39 = arith.constant 0 : i32
    %dma_start3A_40 = tpu.memref_slice %arg3[%add3A_37, %dma_start3A_39] : memref<160000x128xf32, #tpu.memory_space<hbm>> -> memref<40x128xf32, #tpu.memory_space<hbm>>
    %dma_start3A_41 = tpu.memref_slice %arg18[%dma_start3A_38] : memref<2x!tpu.dma_semaphore, #tpu.memory_space<semaphore_mem>> -> memref<1x!tpu.dma_semaphore, #tpu.memory_space<semaphore_mem>>
    %dma_start3A_42 = tpu.memref_squeeze %dma_start3A_41 : memref<1x!tpu.dma_semaphore, #tpu.memory_space<semaphore_mem>> -> memref<!tpu.dma_semaphore, #tpu.memory_space<semaphore_mem>>
    %dma_start3A_43 = arith.constant 0 : i32
    %dma_start3A_44 = tpu.memref_slice %arg3[%add3A_37, %dma_start3A_43] : memref<160000x128xf32, #tpu.memory_space<hbm>> -> memref<40x128xf32, #tpu.memory_space<hbm>>
    tpu.enqueue_dma source(%dma_start3A_44 : memref<40x128xf32, #tpu.memory_space<hbm>>) target(%arg13 : memref<40x128xf32, #tpu.memory_space<vmem>>) target_semaphore(%dma_start3A_42 : memref<!tpu.dma_semaphore, #tpu.memory_space<semaphore_mem>>)
    %add3A_45 = arith.constant 40 : i32
    %add3A_46 = arith.addi %add3A_4, %add3A_45 : i32
    %dma_start3A_47 = arith.constant 1 : i32
    %dma_start3A_48 = tpu.memref_slice %arg5[%add3A_46] : memref<320000xi32, #tpu.memory_space<hbm>> -> memref<40xi32, #tpu.memory_space<hbm>>
    %dma_start3A_49 = tpu.memref_slice %arg16[%dma_start3A_47] : memref<2x!tpu.dma_semaphore, #tpu.memory_space<semaphore_mem>> -> memref<1x!tpu.dma_semaphore, #tpu.memory_space<semaphore_mem>>
    %dma_start3A_50 = tpu.memref_squeeze %dma_start3A_49 : memref<1x!tpu.dma_semaphore, #tpu.memory_space<semaphore_mem>> -> memref<!tpu.dma_semaphore, #tpu.memory_space<semaphore_mem>>
    %dma_start3A_51 = tpu.memref_slice %arg5[%add3A_46] : memref<320000xi32, #tpu.memory_space<hbm>> -> memref<40xi32, #tpu.memory_space<hbm>>
    tpu.enqueue_dma source(%dma_start3A_51 : memref<40xi32, #tpu.memory_space<hbm>>) target(%arg10 : memref<40xi32, #tpu.memory_space<vmem>>) target_semaphore(%dma_start3A_50 : memref<!tpu.dma_semaphore, #tpu.memory_space<semaphore_mem>>)
    %dma_start3A_52 = arith.constant 1 : i32
    %dma_start3A_53 = arith.constant 40 : i32
    %dma_start3A_54 = tpu.memref_slice %arg8[%dma_start3A_53] : memref<5000xi32, #tpu.memory_space<vmem>> -> memref<40xi32, #tpu.memory_space<vmem>>
    %dma_start3A_55 = arith.constant 0 : i32
    %dma_start3A_56 = arith.constant 0 : i32
    %dma_start3A_57 = tpu.memref_slice %arg2[%dma_start3A_55, %dma_start3A_56] : memref<10000x128xf32, #tpu.memory_space<hbm>> -> memref<10000x128xf32, #tpu.memory_space<hbm>>
    %dma_start3A_58 = tpu.memref_slice %arg17[%dma_start3A_52] : memref<2x!tpu.dma_semaphore, #tpu.memory_space<semaphore_mem>> -> memref<1x!tpu.dma_semaphore, #tpu.memory_space<semaphore_mem>>
    %dma_start3A_59 = tpu.memref_squeeze %dma_start3A_58 : memref<1x!tpu.dma_semaphore, #tpu.memory_space<semaphore_mem>> -> memref<!tpu.dma_semaphore, #tpu.memory_space<semaphore_mem>>
    tpu.enqueue_indirect_dma source(%dma_start3A_57 : memref<10000x128xf32, #tpu.memory_space<hbm>>) target(%arg12 : memref<40x128xf32, #tpu.memory_space<vmem>>) offsets(%dma_start3A_54 : memref<40xi32, #tpu.memory_space<vmem>>) semaphore(%dma_start3A_59 : memref<!tpu.dma_semaphore, #tpu.memory_space<semaphore_mem>>)
    %add3A_60 = arith.constant 40 : i32
    %add3A_61 = arith.addi %mul3A_6, %add3A_60 : i32
    %dma_start3A_62 = arith.constant 1 : i32
    %dma_start3A_63 = arith.constant 0 : i32
    %dma_start3A_64 = tpu.memref_slice %arg3[%add3A_61, %dma_start3A_63] : memref<160000x128xf32, #tpu.memory_space<hbm>> -> memref<40x128xf32, #tpu.memory_space<hbm>>
    %dma_start3A_65 = tpu.memref_slice %arg18[%dma_start3A_62] : memref<2x!tpu.dma_semaphore, #tpu.memory_space<semaphore_mem>> -> memref<1x!tpu.dma_semaphore, #tpu.memory_space<semaphore_mem>>
    %dma_start3A_66 = tpu.memref_squeeze %dma_start3A_65 : memref<1x!tpu.dma_semaphore, #tpu.memory_space<semaphore_mem>> -> memref<!tpu.dma_semaphore, #tpu.memory_space<semaphore_mem>>
    %dma_start3A_67 = arith.constant 0 : i32
    %dma_start3A_68 = tpu.memref_slice %arg3[%add3A_61, %dma_start3A_67] : memref<160000x128xf32, #tpu.memory_space<hbm>> -> memref<40x128xf32, #tpu.memory_space<hbm>>
    tpu.enqueue_dma source(%dma_start3A_68 : memref<40x128xf32, #tpu.memory_space<hbm>>) target(%arg14 : memref<40x128xf32, #tpu.memory_space<vmem>>) target_semaphore(%dma_start3A_66 : memref<!tpu.dma_semaphore, #tpu.memory_space<semaphore_mem>>)
    %scan3A = arith.constant 0 : i32
    %scan3A_69 = arith.constant 0 : i32
    %scan3A_70 = arith.constant 62 : i32
    %scan3A_71 = arith.addi %scan3A_69, %scan3A_70 : i32
    %scan3A_72 = arith.constant 1 : i32
    scf.for %scan3A_121 = %scan3A_69 to %scan3A_71 step %scan3A_72  : i32 {
      %mul3A_122 = arith.constant 2 : i32
      %mul3A_123 = arith.muli %scan3A_121, %mul3A_122 : i32
      %mul3A_124 = arith.constant 40 : i32
      %mul3A_125 = arith.muli %mul3A_123, %mul3A_124 : i32
      %add3A_126 = arith.addi %add3A_4, %mul3A_125 : i32
      %dma_wait3A_127 = arith.constant 0 : i32
      %dma_wait3A_128 = tpu.memref_slice %arg5[%add3A_126] : memref<320000xi32, #tpu.memory_space<hbm>> -> memref<40xi32, #tpu.memory_space<hbm>>
      %dma_wait3A_129 = tpu.memref_slice %arg16[%dma_wait3A_127] : memref<2x!tpu.dma_semaphore, #tpu.memory_space<semaphore_mem>> -> memref<1x!tpu.dma_semaphore, #tpu.memory_space<semaphore_mem>>
      %dma_wait3A_130 = tpu.memref_squeeze %dma_wait3A_129 : memref<1x!tpu.dma_semaphore, #tpu.memory_space<semaphore_mem>> -> memref<!tpu.dma_semaphore, #tpu.memory_space<semaphore_mem>>
      %dma_wait3A_131 = tpu.memref_slice %arg5[%add3A_126] : memref<320000xi32, #tpu.memory_space<hbm>> -> memref<40xi32, #tpu.memory_space<hbm>>
      tpu.wait_dma2 semaphore(%dma_wait3A_130 : memref<!tpu.dma_semaphore, #tpu.memory_space<semaphore_mem>>) src(%dma_wait3A_131 : memref<40xi32, #tpu.memory_space<hbm>>) dst(%arg9 : memref<40xi32, #tpu.memory_space<vmem>>)
      %mul3A_132 = arith.constant 40 : i32
      %mul3A_133 = arith.muli %mul3A_123, %mul3A_132 : i32
      %dma_wait3A_134 = arith.constant 0 : i32
      %dma_wait3A_135 = tpu.memref_slice %arg8[%mul3A_133] : memref<5000xi32, #tpu.memory_space<vmem>> -> memref<40xi32, #tpu.memory_space<vmem>>
      %dma_wait3A_136 = arith.constant 0 : i32
      %dma_wait3A_137 = arith.constant 0 : i32
      %dma_wait3A_138 = tpu.memref_slice %arg2[%dma_wait3A_136, %dma_wait3A_137] : memref<10000x128xf32, #tpu.memory_space<hbm>> -> memref<10000x128xf32, #tpu.memory_space<hbm>>
      %dma_wait3A_139 = tpu.memref_slice %arg17[%dma_wait3A_134] : memref<2x!tpu.dma_semaphore, #tpu.memory_space<semaphore_mem>> -> memref<1x!tpu.dma_semaphore, #tpu.memory_space<semaphore_mem>>
      %dma_wait3A_140 = tpu.memref_squeeze %dma_wait3A_139 : memref<1x!tpu.dma_semaphore, #tpu.memory_space<semaphore_mem>> -> memref<!tpu.dma_semaphore, #tpu.memory_space<semaphore_mem>>
      tpu.wait_indirect_dma semaphore(%dma_wait3A_140 : memref<!tpu.dma_semaphore, #tpu.memory_space<semaphore_mem>>) src(%dma_wait3A_138 : memref<10000x128xf32, #tpu.memory_space<hbm>>) dst(%arg11 : memref<40x128xf32, #tpu.memory_space<vmem>>)
      %mul3A_141 = arith.constant 40 : i32
      %mul3A_142 = arith.muli %mul3A_123, %mul3A_141 : i32
      %add3A_143 = arith.addi %mul3A_6, %mul3A_142 : i32
      %dma_wait3A_144 = arith.constant 0 : i32
      %dma_wait3A_145 = arith.constant 0 : i32
      %dma_wait3A_146 = tpu.memref_slice %arg3[%add3A_143, %dma_wait3A_145] : memref<160000x128xf32, #tpu.memory_space<hbm>> -> memref<40x128xf32, #tpu.memory_space<hbm>>
      %dma_wait3A_147 = tpu.memref_slice %arg18[%dma_wait3A_144] : memref<2x!tpu.dma_semaphore, #tpu.memory_space<semaphore_mem>> -> memref<1x!tpu.dma_semaphore, #tpu.memory_space<semaphore_mem>>
      %dma_wait3A_148 = tpu.memref_squeeze %dma_wait3A_147 : memref<1x!tpu.dma_semaphore, #tpu.memory_space<semaphore_mem>> -> memref<!tpu.dma_semaphore, #tpu.memory_space<semaphore_mem>>
      %dma_wait3A_149 = arith.constant 0 : i32
      %dma_wait3A_150 = tpu.memref_slice %arg3[%add3A_143, %dma_wait3A_149] : memref<160000x128xf32, #tpu.memory_space<hbm>> -> memref<40x128xf32, #tpu.memory_space<hbm>>
      tpu.wait_dma2 semaphore(%dma_wait3A_148 : memref<!tpu.dma_semaphore, #tpu.memory_space<semaphore_mem>>) src(%dma_wait3A_150 : memref<40x128xf32, #tpu.memory_space<hbm>>) dst(%arg13 : memref<40x128xf32, #tpu.memory_space<vmem>>)
      %dma_start3A_151 = arith.constant 0 : i32
      %dma_start3A_152 = arith.constant 0 : i32
      %dma_start3A_153 = arith.constant 0 : i32
      %dma_start3A_154 = tpu.memref_slice %arg15[%dma_start3A_152, %dma_start3A_153] : memref<10000x128xf32, #tpu.memory_space<vmem_shared>> -> memref<10000x128xf32, #tpu.memory_space<vmem_shared>>
      %dma_start3A_155 = tpu.memref_slice %arg19[%dma_start3A_151] : memref<2x!tpu.dma_semaphore, #tpu.memory_space<semaphore_mem>> -> memref<1x!tpu.dma_semaphore, #tpu.memory_space<semaphore_mem>>
      %dma_start3A_156 = tpu.memref_squeeze %dma_start3A_155 : memref<1x!tpu.dma_semaphore, #tpu.memory_space<semaphore_mem>> -> memref<!tpu.dma_semaphore, #tpu.memory_space<semaphore_mem>>
      tpu.enqueue_indirect_dma source(%arg13 : memref<40x128xf32, #tpu.memory_space<vmem>>) target(%dma_start3A_154 : memref<10000x128xf32, #tpu.memory_space<vmem_shared>>) offsets(%arg9 : memref<40xi32, #tpu.memory_space<vmem>>) semaphore(%dma_start3A_156 : memref<!tpu.dma_semaphore, #tpu.memory_space<semaphore_mem>>) {add = true}
      %dma_wait3A_157 = arith.constant 0 : i32
      %dma_wait3A_158 = arith.constant 0 : i32
      %dma_wait3A_159 = arith.constant 0 : i32
      %dma_wait3A_160 = tpu.memref_slice %arg15[%dma_wait3A_158, %dma_wait3A_159] : memref<10000x128xf32, #tpu.memory_space<vmem_shared>> -> memref<10000x128xf32, #tpu.memory_space<vmem_shared>>
      %dma_wait3A_161 = tpu.memref_slice %arg19[%dma_wait3A_157] : memref<2x!tpu.dma_semaphore, #tpu.memory_space<semaphore_mem>> -> memref<1x!tpu.dma_semaphore, #tpu.memory_space<semaphore_mem>>
      %dma_wait3A_162 = tpu.memref_squeeze %dma_wait3A_161 : memref<1x!tpu.dma_semaphore, #tpu.memory_space<semaphore_mem>> -> memref<!tpu.dma_semaphore, #tpu.memory_space<semaphore_mem>>
      tpu.wait_indirect_dma semaphore(%dma_wait3A_162 : memref<!tpu.dma_semaphore, #tpu.memory_space<semaphore_mem>>) src(%arg13 : memref<40x128xf32, #tpu.memory_space<vmem>>) dst(%dma_wait3A_160 : memref<10000x128xf32, #tpu.memory_space<vmem_shared>>)
      %add3A_163 = arith.constant 2 : i32
      %add3A_164 = arith.addi %mul3A_123, %add3A_163 : i32
      %lt3A_165 = arith.constant 125 : i32
      %lt3A_166 = arith.cmpi slt, %add3A_164, %lt3A_165 : i32
      %convert_element_type3A_167 = arith.extui %lt3A_166 : i1 to i32
      %cond3A_168 = arith.constant 0 : i32
      %cond3A_169 = arith.cmpi ne, %convert_element_type3A_167, %cond3A_168 : i32
      scf.if %cond3A_169 {
        %add3A_220 = arith.constant 2 : i32
        %add3A_221 = arith.addi %mul3A_123, %add3A_220 : i32
        %mul3A_222 = arith.constant 40 : i32
        %mul3A_223 = arith.muli %add3A_221, %mul3A_222 : i32
        %add3A_224 = arith.addi %add3A_4, %mul3A_223 : i32
        %dma_start3A_225 = arith.constant 0 : i32
        %dma_start3A_226 = tpu.memref_slice %arg5[%add3A_224] : memref<320000xi32, #tpu.memory_space<hbm>> -> memref<40xi32, #tpu.memory_space<hbm>>
        %dma_start3A_227 = tpu.memref_slice %arg16[%dma_start3A_225] : memref<2x!tpu.dma_semaphore, #tpu.memory_space<semaphore_mem>> -> memref<1x!tpu.dma_semaphore, #tpu.memory_space<semaphore_mem>>
        %dma_start3A_228 = tpu.memref_squeeze %dma_start3A_227 : memref<1x!tpu.dma_semaphore, #tpu.memory_space<semaphore_mem>> -> memref<!tpu.dma_semaphore, #tpu.memory_space<semaphore_mem>>
        %dma_start3A_229 = tpu.memref_slice %arg5[%add3A_224] : memref<320000xi32, #tpu.memory_space<hbm>> -> memref<40xi32, #tpu.memory_space<hbm>>
        tpu.enqueue_dma source(%dma_start3A_229 : memref<40xi32, #tpu.memory_space<hbm>>) target(%arg9 : memref<40xi32, #tpu.memory_space<vmem>>) target_semaphore(%dma_start3A_228 : memref<!tpu.dma_semaphore, #tpu.memory_space<semaphore_mem>>)
        %mul3A_230 = arith.constant 40 : i32
        %mul3A_231 = arith.muli %add3A_221, %mul3A_230 : i32
        %dma_start3A_232 = arith.constant 0 : i32
        %dma_start3A_233 = tpu.memref_slice %arg8[%mul3A_231] : memref<5000xi32, #tpu.memory_space<vmem>> -> memref<40xi32, #tpu.memory_space<vmem>>
        %dma_start3A_234 = arith.constant 0 : i32
        %dma_start3A_235 = arith.constant 0 : i32
        %dma_start3A_236 = tpu.memref_slice %arg2[%dma_start3A_234, %dma_start3A_235] : memref<10000x128xf32, #tpu.memory_space<hbm>> -> memref<10000x128xf32, #tpu.memory_space<hbm>>
        %dma_start3A_237 = tpu.memref_slice %arg17[%dma_start3A_232] : memref<2x!tpu.dma_semaphore, #tpu.memory_space<semaphore_mem>> -> memref<1x!tpu.dma_semaphore, #tpu.memory_space<semaphore_mem>>
        %dma_start3A_238 = tpu.memref_squeeze %dma_start3A_237 : memref<1x!tpu.dma_semaphore, #tpu.memory_space<semaphore_mem>> -> memref<!tpu.dma_semaphore, #tpu.memory_space<semaphore_mem>>
        tpu.enqueue_indirect_dma source(%dma_start3A_236 : memref<10000x128xf32, #tpu.memory_space<hbm>>) target(%arg11 : memref<40x128xf32, #tpu.memory_space<vmem>>) offsets(%dma_start3A_233 : memref<40xi32, #tpu.memory_space<vmem>>) semaphore(%dma_start3A_238 : memref<!tpu.dma_semaphore, #tpu.memory_space<semaphore_mem>>)
        %mul3A_239 = arith.constant 40 : i32
        %mul3A_240 = arith.muli %add3A_221, %mul3A_239 : i32
        %add3A_241 = arith.addi %mul3A_6, %mul3A_240 : i32
        %dma_start3A_242 = arith.constant 0 : i32
        %dma_start3A_243 = arith.constant 0 : i32
        %dma_start3A_244 = tpu.memref_slice %arg3[%add3A_241, %dma_start3A_243] : memref<160000x128xf32, #tpu.memory_space<hbm>> -> memref<40x128xf32, #tpu.memory_space<hbm>>
        %dma_start3A_245 = tpu.memref_slice %arg18[%dma_start3A_242] : memref<2x!tpu.dma_semaphore, #tpu.memory_space<semaphore_mem>> -> memref<1x!tpu.dma_semaphore, #tpu.memory_space<semaphore_mem>>
        %dma_start3A_246 = tpu.memref_squeeze %dma_start3A_245 : memref<1x!tpu.dma_semaphore, #tpu.memory_space<semaphore_mem>> -> memref<!tpu.dma_semaphore, #tpu.memory_space<semaphore_mem>>
        %dma_start3A_247 = arith.constant 0 : i32
        %dma_start3A_248 = tpu.memref_slice %arg3[%add3A_241, %dma_start3A_247] : memref<160000x128xf32, #tpu.memory_space<hbm>> -> memref<40x128xf32, #tpu.memory_space<hbm>>
        tpu.enqueue_dma source(%dma_start3A_248 : memref<40x128xf32, #tpu.memory_space<hbm>>) target(%arg13 : memref<40x128xf32, #tpu.memory_space<vmem>>) target_semaphore(%dma_start3A_246 : memref<!tpu.dma_semaphore, #tpu.memory_space<semaphore_mem>>)
      } else {
      }
      %mul3A_170 = arith.constant 2 : i32
      %mul3A_171 = arith.muli %scan3A_121, %mul3A_170 : i32
      %add3A_172 = arith.constant 1 : i32
      %add3A_173 = arith.addi %mul3A_171, %add3A_172 : i32
      %mul3A_174 = arith.constant 40 : i32
      %mul3A_175 = arith.muli %add3A_173, %mul3A_174 : i32
      %add3A_176 = arith.addi %add3A_4, %mul3A_175 : i32
      %dma_wait3A_177 = arith.constant 1 : i32
      %dma_wait3A_178 = tpu.memref_slice %arg5[%add3A_176] : memref<320000xi32, #tpu.memory_space<hbm>> -> memref<40xi32, #tpu.memory_space<hbm>>
      %dma_wait3A_179 = tpu.memref_slice %arg16[%dma_wait3A_177] : memref<2x!tpu.dma_semaphore, #tpu.memory_space<semaphore_mem>> -> memref<1x!tpu.dma_semaphore, #tpu.memory_space<semaphore_mem>>
      %dma_wait3A_180 = tpu.memref_squeeze %dma_wait3A_179 : memref<1x!tpu.dma_semaphore, #tpu.memory_space<semaphore_mem>> -> memref<!tpu.dma_semaphore, #tpu.memory_space<semaphore_mem>>
      %dma_wait3A_181 = tpu.memref_slice %arg5[%add3A_176] : memref<320000xi32, #tpu.memory_space<hbm>> -> memref<40xi32, #tpu.memory_space<hbm>>
      tpu.wait_dma2 semaphore(%dma_wait3A_180 : memref<!tpu.dma_semaphore, #tpu.memory_space<semaphore_mem>>) src(%dma_wait3A_181 : memref<40xi32, #tpu.memory_space<hbm>>) dst(%arg10 : memref<40xi32, #tpu.memory_space<vmem>>)
      %mul3A_182 = arith.constant 40 : i32
      %mul3A_183 = arith.muli %add3A_173, %mul3A_182 : i32
      %dma_wait3A_184 = arith.constant 1 : i32
      %dma_wait3A_185 = tpu.memref_slice %arg8[%mul3A_183] : memref<5000xi32, #tpu.memory_space<vmem>> -> memref<40xi32, #tpu.memory_space<vmem>>
      %dma_wait3A_186 = arith.constant 0 : i32
      %dma_wait3A_187 = arith.constant 0 : i32
      %dma_wait3A_188 = tpu.memref_slice %arg2[%dma_wait3A_186, %dma_wait3A_187] : memref<10000x128xf32, #tpu.memory_space<hbm>> -> memref<10000x128xf32, #tpu.memory_space<hbm>>
      %dma_wait3A_189 = tpu.memref_slice %arg17[%dma_wait3A_184] : memref<2x!tpu.dma_semaphore, #tpu.memory_space<semaphore_mem>> -> memref<1x!tpu.dma_semaphore, #tpu.memory_space<semaphore_mem>>
      %dma_wait3A_190 = tpu.memref_squeeze %dma_wait3A_189 : memref<1x!tpu.dma_semaphore, #tpu.memory_space<semaphore_mem>> -> memref<!tpu.dma_semaphore, #tpu.memory_space<semaphore_mem>>
      tpu.wait_indirect_dma semaphore(%dma_wait3A_190 : memref<!tpu.dma_semaphore, #tpu.memory_space<semaphore_mem>>) src(%dma_wait3A_188 : memref<10000x128xf32, #tpu.memory_space<hbm>>) dst(%arg12 : memref<40x128xf32, #tpu.memory_space<vmem>>)
      %mul3A_191 = arith.constant 40 : i32
      %mul3A_192 = arith.muli %add3A_173, %mul3A_191 : i32
      %add3A_193 = arith.addi %mul3A_6, %mul3A_192 : i32
      %dma_wait3A_194 = arith.constant 1 : i32
      %dma_wait3A_195 = arith.constant 0 : i32
      %dma_wait3A_196 = tpu.memref_slice %arg3[%add3A_193, %dma_wait3A_195] : memref<160000x128xf32, #tpu.memory_space<hbm>> -> memref<40x128xf32, #tpu.memory_space<hbm>>
      %dma_wait3A_197 = tpu.memref_slice %arg18[%dma_wait3A_194] : memref<2x!tpu.dma_semaphore, #tpu.memory_space<semaphore_mem>> -> memref<1x!tpu.dma_semaphore, #tpu.memory_space<semaphore_mem>>
      %dma_wait3A_198 = tpu.memref_squeeze %dma_wait3A_197 : memref<1x!tpu.dma_semaphore, #tpu.memory_space<semaphore_mem>> -> memref<!tpu.dma_semaphore, #tpu.memory_space<semaphore_mem>>
      %dma_wait3A_199 = arith.constant 0 : i32
      %dma_wait3A_200 = tpu.memref_slice %arg3[%add3A_193, %dma_wait3A_199] : memref<160000x128xf32, #tpu.memory_space<hbm>> -> memref<40x128xf32, #tpu.memory_space<hbm>>
      tpu.wait_dma2 semaphore(%dma_wait3A_198 : memref<!tpu.dma_semaphore, #tpu.memory_space<semaphore_mem>>) src(%dma_wait3A_200 : memref<40x128xf32, #tpu.memory_space<hbm>>) dst(%arg14 : memref<40x128xf32, #tpu.memory_space<vmem>>)
      %dma_start3A_201 = arith.constant 1 : i32
      %dma_start3A_202 = arith.constant 0 : i32
      %dma_start3A_203 = arith.constant 0 : i32
      %dma_start3A_204 = tpu.memref_slice %arg15[%dma_start3A_202, %dma_start3A_203] : memref<10000x128xf32, #tpu.memory_space<vmem_shared>> -> memref<10000x128xf32, #tpu.memory_space<vmem_shared>>
      %dma_start3A_205 = tpu.memref_slice %arg19[%dma_start3A_201] : memref<2x!tpu.dma_semaphore, #tpu.memory_space<semaphore_mem>> -> memref<1x!tpu.dma_semaphore, #tpu.memory_space<semaphore_mem>>
      %dma_start3A_206 = tpu.memref_squeeze %dma_start3A_205 : memref<1x!tpu.dma_semaphore, #tpu.memory_space<semaphore_mem>> -> memref<!tpu.dma_semaphore, #tpu.memory_space<semaphore_mem>>
      tpu.enqueue_indirect_dma source(%arg14 : memref<40x128xf32, #tpu.memory_space<vmem>>) target(%dma_start3A_204 : memref<10000x128xf32, #tpu.memory_space<vmem_shared>>) offsets(%arg10 : memref<40xi32, #tpu.memory_space<vmem>>) semaphore(%dma_start3A_206 : memref<!tpu.dma_semaphore, #tpu.memory_space<semaphore_mem>>) {add = true}
      %dma_wait3A_207 = arith.constant 1 : i32
      %dma_wait3A_208 = arith.constant 0 : i32
      %dma_wait3A_209 = arith.constant 0 : i32
      %dma_wait3A_210 = tpu.memref_slice %arg15[%dma_wait3A_208, %dma_wait3A_209] : memref<10000x128xf32, #tpu.memory_space<vmem_shared>> -> memref<10000x128xf32, #tpu.memory_space<vmem_shared>>
      %dma_wait3A_211 = tpu.memref_slice %arg19[%dma_wait3A_207] : memref<2x!tpu.dma_semaphore, #tpu.memory_space<semaphore_mem>> -> memref<1x!tpu.dma_semaphore, #tpu.memory_space<semaphore_mem>>
      %dma_wait3A_212 = tpu.memref_squeeze %dma_wait3A_211 : memref<1x!tpu.dma_semaphore, #tpu.memory_space<semaphore_mem>> -> memref<!tpu.dma_semaphore, #tpu.memory_space<semaphore_mem>>
      tpu.wait_indirect_dma semaphore(%dma_wait3A_212 : memref<!tpu.dma_semaphore, #tpu.memory_space<semaphore_mem>>) src(%arg14 : memref<40x128xf32, #tpu.memory_space<vmem>>) dst(%dma_wait3A_210 : memref<10000x128xf32, #tpu.memory_space<vmem_shared>>)
      %add3A_213 = arith.constant 2 : i32
      %add3A_214 = arith.addi %add3A_173, %add3A_213 : i32
      %lt3A_215 = arith.constant 125 : i32
      %lt3A_216 = arith.cmpi slt, %add3A_214, %lt3A_215 : i32
      %convert_element_type3A_217 = arith.extui %lt3A_216 : i1 to i32
      %cond3A_218 = arith.constant 0 : i32
      %cond3A_219 = arith.cmpi ne, %convert_element_type3A_217, %cond3A_218 : i32
      scf.if %cond3A_219 {
        %add3A_220 = arith.constant 2 : i32
        %add3A_221 = arith.addi %add3A_173, %add3A_220 : i32
        %mul3A_222 = arith.constant 40 : i32
        %mul3A_223 = arith.muli %add3A_221, %mul3A_222 : i32
        %add3A_224 = arith.addi %add3A_4, %mul3A_223 : i32
        %dma_start3A_225 = arith.constant 1 : i32
        %dma_start3A_226 = tpu.memref_slice %arg5[%add3A_224] : memref<320000xi32, #tpu.memory_space<hbm>> -> memref<40xi32, #tpu.memory_space<hbm>>
        %dma_start3A_227 = tpu.memref_slice %arg16[%dma_start3A_225] : memref<2x!tpu.dma_semaphore, #tpu.memory_space<semaphore_mem>> -> memref<1x!tpu.dma_semaphore, #tpu.memory_space<semaphore_mem>>
        %dma_start3A_228 = tpu.memref_squeeze %dma_start3A_227 : memref<1x!tpu.dma_semaphore, #tpu.memory_space<semaphore_mem>> -> memref<!tpu.dma_semaphore, #tpu.memory_space<semaphore_mem>>
        %dma_start3A_229 = tpu.memref_slice %arg5[%add3A_224] : memref<320000xi32, #tpu.memory_space<hbm>> -> memref<40xi32, #tpu.memory_space<hbm>>
        tpu.enqueue_dma source(%dma_start3A_229 : memref<40xi32, #tpu.memory_space<hbm>>) target(%arg10 : memref<40xi32, #tpu.memory_space<vmem>>) target_semaphore(%dma_start3A_228 : memref<!tpu.dma_semaphore, #tpu.memory_space<semaphore_mem>>)
        %mul3A_230 = arith.constant 40 : i32
        %mul3A_231 = arith.muli %add3A_221, %mul3A_230 : i32
        %dma_start3A_232 = arith.constant 1 : i32
        %dma_start3A_233 = tpu.memref_slice %arg8[%mul3A_231] : memref<5000xi32, #tpu.memory_space<vmem>> -> memref<40xi32, #tpu.memory_space<vmem>>
        %dma_start3A_234 = arith.constant 0 : i32
        %dma_start3A_235 = arith.constant 0 : i32
        %dma_start3A_236 = tpu.memref_slice %arg2[%dma_start3A_234, %dma_start3A_235] : memref<10000x128xf32, #tpu.memory_space<hbm>> -> memref<10000x128xf32, #tpu.memory_space<hbm>>
        %dma_start3A_237 = tpu.memref_slice %arg17[%dma_start3A_232] : memref<2x!tpu.dma_semaphore, #tpu.memory_space<semaphore_mem>> -> memref<1x!tpu.dma_semaphore, #tpu.memory_space<semaphore_mem>>
        %dma_start3A_238 = tpu.memref_squeeze %dma_start3A_237 : memref<1x!tpu.dma_semaphore, #tpu.memory_space<semaphore_mem>> -> memref<!tpu.dma_semaphore, #tpu.memory_space<semaphore_mem>>
        tpu.enqueue_indirect_dma source(%dma_start3A_236 : memref<10000x128xf32, #tpu.memory_space<hbm>>) target(%arg12 : memref<40x128xf32, #tpu.memory_space<vmem>>) offsets(%dma_start3A_233 : memref<40xi32, #tpu.memory_space<vmem>>) semaphore(%dma_start3A_238 : memref<!tpu.dma_semaphore, #tpu.memory_space<semaphore_mem>>)
        %mul3A_239 = arith.constant 40 : i32
        %mul3A_240 = arith.muli %add3A_221, %mul3A_239 : i32
        %add3A_241 = arith.addi %mul3A_6, %mul3A_240 : i32
        %dma_start3A_242 = arith.constant 1 : i32
        %dma_start3A_243 = arith.constant 0 : i32
        %dma_start3A_244 = tpu.memref_slice %arg3[%add3A_241, %dma_start3A_243] : memref<160000x128xf32, #tpu.memory_space<hbm>> -> memref<40x128xf32, #tpu.memory_space<hbm>>
        %dma_start3A_245 = tpu.memref_slice %arg18[%dma_start3A_242] : memref<2x!tpu.dma_semaphore, #tpu.memory_space<semaphore_mem>> -> memref<1x!tpu.dma_semaphore, #tpu.memory_space<semaphore_mem>>
        %dma_start3A_246 = tpu.memref_squeeze %dma_start3A_245 : memref<1x!tpu.dma_semaphore, #tpu.memory_space<semaphore_mem>> -> memref<!tpu.dma_semaphore, #tpu.memory_space<semaphore_mem>>
        %dma_start3A_247 = arith.constant 0 : i32
        %dma_start3A_248 = tpu.memref_slice %arg3[%add3A_241, %dma_start3A_247] : memref<160000x128xf32, #tpu.memory_space<hbm>> -> memref<40x128xf32, #tpu.memory_space<hbm>>
        tpu.enqueue_dma source(%dma_start3A_248 : memref<40x128xf32, #tpu.memory_space<hbm>>) target(%arg14 : memref<40x128xf32, #tpu.memory_space<vmem>>) target_semaphore(%dma_start3A_246 : memref<!tpu.dma_semaphore, #tpu.memory_space<semaphore_mem>>)
      } else {
      }
    }
    %scan3A_73 = arith.constant 62 : i32
    %add3A_74 = arith.constant 4960 : i32
    %add3A_75 = arith.addi %add3A_4, %add3A_74 : i32
    %dma_wait3A_76 = arith.constant 0 : i32
    %dma_wait3A_77 = tpu.memref_slice %arg5[%add3A_75] : memref<320000xi32, #tpu.memory_space<hbm>> -> memref<40xi32, #tpu.memory_space<hbm>>
    %dma_wait3A_78 = tpu.memref_slice %arg16[%dma_wait3A_76] : memref<2x!tpu.dma_semaphore, #tpu.memory_space<semaphore_mem>> -> memref<1x!tpu.dma_semaphore, #tpu.memory_space<semaphore_mem>>
    %dma_wait3A_79 = tpu.memref_squeeze %dma_wait3A_78 : memref<1x!tpu.dma_semaphore, #tpu.memory_space<semaphore_mem>> -> memref<!tpu.dma_semaphore, #tpu.memory_space<semaphore_mem>>
    %dma_wait3A_80 = tpu.memref_slice %arg5[%add3A_75] : memref<320000xi32, #tpu.memory_space<hbm>> -> memref<40xi32, #tpu.memory_space<hbm>>
    tpu.wait_dma2 semaphore(%dma_wait3A_79 : memref<!tpu.dma_semaphore, #tpu.memory_space<semaphore_mem>>) src(%dma_wait3A_80 : memref<40xi32, #tpu.memory_space<hbm>>) dst(%arg9 : memref<40xi32, #tpu.memory_space<vmem>>)
    %dma_wait3A_81 = arith.constant 0 : i32
    %dma_wait3A_82 = arith.constant 4960 : i32
    %dma_wait3A_83 = tpu.memref_slice %arg8[%dma_wait3A_82] : memref<5000xi32, #tpu.memory_space<vmem>> -> memref<40xi32, #tpu.memory_space<vmem>>
    %dma_wait3A_84 = arith.constant 0 : i32
    %dma_wait3A_85 = arith.constant 0 : i32
    %dma_wait3A_86 = tpu.memref_slice %arg2[%dma_wait3A_84, %dma_wait3A_85] : memref<10000x128xf32, #tpu.memory_space<hbm>> -> memref<10000x128xf32, #tpu.memory_space<hbm>>
    %dma_wait3A_87 = tpu.memref_slice %arg17[%dma_wait3A_81] : memref<2x!tpu.dma_semaphore, #tpu.memory_space<semaphore_mem>> -> memref<1x!tpu.dma_semaphore, #tpu.memory_space<semaphore_mem>>
    %dma_wait3A_88 = tpu.memref_squeeze %dma_wait3A_87 : memref<1x!tpu.dma_semaphore, #tpu.memory_space<semaphore_mem>> -> memref<!tpu.dma_semaphore, #tpu.memory_space<semaphore_mem>>
    tpu.wait_indirect_dma semaphore(%dma_wait3A_88 : memref<!tpu.dma_semaphore, #tpu.memory_space<semaphore_mem>>) src(%dma_wait3A_86 : memref<10000x128xf32, #tpu.memory_space<hbm>>) dst(%arg11 : memref<40x128xf32, #tpu.memory_space<vmem>>)
    %add3A_89 = arith.constant 4960 : i32
    %add3A_90 = arith.addi %mul3A_6, %add3A_89 : i32
    %dma_wait3A_91 = arith.constant 0 : i32
    %dma_wait3A_92 = arith.constant 0 : i32
    %dma_wait3A_93 = tpu.memref_slice %arg3[%add3A_90, %dma_wait3A_92] : memref<160000x128xf32, #tpu.memory_space<hbm>> -> memref<40x128xf32, #tpu.memory_space<hbm>>
    %dma_wait3A_94 = tpu.memref_slice %arg18[%dma_wait3A_91] : memref<2x!tpu.dma_semaphore, #tpu.memory_space<semaphore_mem>> -> memref<1x!tpu.dma_semaphore, #tpu.memory_space<semaphore_mem>>
    %dma_wait3A_95 = tpu.memref_squeeze %dma_wait3A_94 : memref<1x!tpu.dma_semaphore, #tpu.memory_space<semaphore_mem>> -> memref<!tpu.dma_semaphore, #tpu.memory_space<semaphore_mem>>
    %dma_wait3A_96 = arith.constant 0 : i32
    %dma_wait3A_97 = tpu.memref_slice %arg3[%add3A_90, %dma_wait3A_96] : memref<160000x128xf32, #tpu.memory_space<hbm>> -> memref<40x128xf32, #tpu.memory_space<hbm>>
    tpu.wait_dma2 semaphore(%dma_wait3A_95 : memref<!tpu.dma_semaphore, #tpu.memory_space<semaphore_mem>>) src(%dma_wait3A_97 : memref<40x128xf32, #tpu.memory_space<hbm>>) dst(%arg13 : memref<40x128xf32, #tpu.memory_space<vmem>>)
    %dma_start3A_98 = arith.constant 0 : i32
    %dma_start3A_99 = arith.constant 0 : i32
    %dma_start3A_100 = arith.constant 0 : i32
    %dma_start3A_101 = tpu.memref_slice %arg15[%dma_start3A_99, %dma_start3A_100] : memref<10000x128xf32, #tpu.memory_space<vmem_shared>> -> memref<10000x128xf32, #tpu.memory_space<vmem_shared>>
    %dma_start3A_102 = tpu.memref_slice %arg19[%dma_start3A_98] : memref<2x!tpu.dma_semaphore, #tpu.memory_space<semaphore_mem>> -> memref<1x!tpu.dma_semaphore, #tpu.memory_space<semaphore_mem>>
    %dma_start3A_103 = tpu.memref_squeeze %dma_start3A_102 : memref<1x!tpu.dma_semaphore, #tpu.memory_space<semaphore_mem>> -> memref<!tpu.dma_semaphore, #tpu.memory_space<semaphore_mem>>
    tpu.enqueue_indirect_dma source(%arg13 : memref<40x128xf32, #tpu.memory_space<vmem>>) target(%dma_start3A_101 : memref<10000x128xf32, #tpu.memory_space<vmem_shared>>) offsets(%arg9 : memref<40xi32, #tpu.memory_space<vmem>>) semaphore(%dma_start3A_103 : memref<!tpu.dma_semaphore, #tpu.memory_space<semaphore_mem>>) {add = true}
    %dma_wait3A_104 = arith.constant 0 : i32
    %dma_wait3A_105 = arith.constant 0 : i32
    %dma_wait3A_106 = arith.constant 0 : i32
    %dma_wait3A_107 = tpu.memref_slice %arg15[%dma_wait3A_105, %dma_wait3A_106] : memref<10000x128xf32, #tpu.memory_space<vmem_shared>> -> memref<10000x128xf32, #tpu.memory_space<vmem_shared>>
    %dma_wait3A_108 = tpu.memref_slice %arg19[%dma_wait3A_104] : memref<2x!tpu.dma_semaphore, #tpu.memory_space<semaphore_mem>> -> memref<1x!tpu.dma_semaphore, #tpu.memory_space<semaphore_mem>>
    %dma_wait3A_109 = tpu.memref_squeeze %dma_wait3A_108 : memref<1x!tpu.dma_semaphore, #tpu.memory_space<semaphore_mem>> -> memref<!tpu.dma_semaphore, #tpu.memory_space<semaphore_mem>>
    tpu.wait_indirect_dma semaphore(%dma_wait3A_109 : memref<!tpu.dma_semaphore, #tpu.memory_space<semaphore_mem>>) src(%arg13 : memref<40x128xf32, #tpu.memory_space<vmem>>) dst(%dma_wait3A_107 : memref<10000x128xf32, #tpu.memory_space<vmem_shared>>)
    %barrier3A_110 = arith.constant 0 : index
    tpu.barrier barrier_id(%barrier3A_110)
    %lt3A_111 = arith.constant 15 : i32
    %lt3A_112 = arith.cmpi slt, %arg1, %lt3A_111 : i32
    %convert_element_type3A_113 = arith.extui %lt3A_112 : i1 to i32
    %cond3A_114 = arith.constant 0 : i32
    %cond3A_115 = arith.cmpi ne, %convert_element_type3A_113, %cond3A_114 : i32
    scf.if %cond3A_115 {
      %mul3A_121 = arith.constant 640 : i32
      %mul3A_122 = arith.muli %arg1, %mul3A_121 : i32
      %mul3A_123 = arith.constant 640 : i32
      %mul3A_124 = arith.muli %arg1, %mul3A_123 : i32
      "tpu.region"() ({
        %run_scoped3A = tpu.sem_alloc : memref<!tpu.dma_semaphore, #tpu.memory_space<semaphore_mem>>
        %dma_start3A_125 = arith.constant 0 : i32
        %dma_start3A_126 = tpu.memref_slice %arg7[%arg0, %mul3A_124, %dma_start3A_125] : memref<2x10000x128xf32, #tpu.memory_space<hbm>> -> memref<1x640x128xf32, #tpu.memory_space<hbm>>
        %dma_start3A_127 = tpu.memref_squeeze %dma_start3A_126 : memref<1x640x128xf32, #tpu.memory_space<hbm>> -> memref<640x128xf32, #tpu.memory_space<hbm>>
        %dma_start3A_128 = arith.constant 0 : i32
        %dma_start3A_129 = tpu.memref_slice %arg15[%mul3A_122, %dma_start3A_128] : memref<10000x128xf32, #tpu.memory_space<vmem_shared>> -> memref<640x128xf32, #tpu.memory_space<vmem_shared>>
        tpu.enqueue_dma source(%dma_start3A_129 : memref<640x128xf32, #tpu.memory_space<vmem_shared>>) target(%dma_start3A_127 : memref<640x128xf32, #tpu.memory_space<hbm>>) target_semaphore(%run_scoped3A : memref<!tpu.dma_semaphore, #tpu.memory_space<semaphore_mem>>)
        %dma_wait3A_130 = arith.constant 0 : i32
        %dma_wait3A_131 = tpu.memref_slice %arg7[%arg0, %mul3A_124, %dma_wait3A_130] : memref<2x10000x128xf32, #tpu.memory_space<hbm>> -> memref<1x640x128xf32, #tpu.memory_space<hbm>>
        %dma_wait3A_132 = tpu.memref_squeeze %dma_wait3A_131 : memref<1x640x128xf32, #tpu.memory_space<hbm>> -> memref<640x128xf32, #tpu.memory_space<hbm>>
        %dma_wait3A_133 = arith.constant 0 : i32
        %dma_wait3A_134 = tpu.memref_slice %arg15[%mul3A_122, %dma_wait3A_133] : memref<10000x128xf32, #tpu.memory_space<vmem_shared>> -> memref<640x128xf32, #tpu.memory_space<vmem_shared>>
        tpu.wait_dma2 semaphore(%run_scoped3A : memref<!tpu.dma_semaphore, #tpu.memory_space<semaphore_mem>>) src(%dma_wait3A_134 : memref<640x128xf32, #tpu.memory_space<vmem_shared>>) dst(%dma_wait3A_132 : memref<640x128xf32, #tpu.memory_space<hbm>>)
        tpu.yield
      }) : () -> ()
    } else {
    }
    %eq3A_116 = arith.constant 15 : i32
    %eq3A_117 = arith.cmpi eq, %arg1, %eq3A_116 : i32
    %convert_element_type3A_118 = arith.extui %eq3A_117 : i1 to i32
    %cond3A_119 = arith.constant 0 : i32
    %cond3A_120 = arith.cmpi ne, %convert_element_type3A_118, %cond3A_119 : i32
    scf.if %cond3A_120 {
      "tpu.region"() ({
        %run_scoped3A = tpu.sem_alloc : memref<!tpu.dma_semaphore, #tpu.memory_space<semaphore_mem>>
        %dma_start3A_121 = arith.constant 9600 : i32
        %dma_start3A_122 = arith.constant 0 : i32
        %dma_start3A_123 = tpu.memref_slice %arg7[%arg0, %dma_start3A_121, %dma_start3A_122] : memref<2x10000x128xf32, #tpu.memory_space<hbm>> -> memref<1x400x128xf32, #tpu.memory_space<hbm>>
        %dma_start3A_124 = tpu.memref_squeeze %dma_start3A_123 : memref<1x400x128xf32, #tpu.memory_space<hbm>> -> memref<400x128xf32, #tpu.memory_space<hbm>>
        %dma_start3A_125 = arith.constant 9600 : i32
        %dma_start3A_126 = arith.constant 0 : i32
        %dma_start3A_127 = tpu.memref_slice %arg15[%dma_start3A_125, %dma_start3A_126] : memref<10000x128xf32, #tpu.memory_space<vmem_shared>> -> memref<400x128xf32, #tpu.memory_space<vmem_shared>>
        tpu.enqueue_dma source(%dma_start3A_127 : memref<400x128xf32, #tpu.memory_space<vmem_shared>>) target(%dma_start3A_124 : memref<400x128xf32, #tpu.memory_space<hbm>>) target_semaphore(%run_scoped3A : memref<!tpu.dma_semaphore, #tpu.memory_space<semaphore_mem>>)
        %dma_wait3A_128 = arith.constant 9600 : i32
        %dma_wait3A_129 = arith.constant 0 : i32
        %dma_wait3A_130 = tpu.memref_slice %arg7[%arg0, %dma_wait3A_128, %dma_wait3A_129] : memref<2x10000x128xf32, #tpu.memory_space<hbm>> -> memref<1x400x128xf32, #tpu.memory_space<hbm>>
        %dma_wait3A_131 = tpu.memref_squeeze %dma_wait3A_130 : memref<1x400x128xf32, #tpu.memory_space<hbm>> -> memref<400x128xf32, #tpu.memory_space<hbm>>
        %dma_wait3A_132 = arith.constant 9600 : i32
        %dma_wait3A_133 = arith.constant 0 : i32
        %dma_wait3A_134 = tpu.memref_slice %arg15[%dma_wait3A_132, %dma_wait3A_133] : memref<10000x128xf32, #tpu.memory_space<vmem_shared>> -> memref<400x128xf32, #tpu.memory_space<vmem_shared>>
        tpu.wait_dma2 semaphore(%run_scoped3A : memref<!tpu.dma_semaphore, #tpu.memory_space<semaphore_mem>>) src(%dma_wait3A_134 : memref<400x128xf32, #tpu.memory_space<vmem_shared>>) dst(%dma_wait3A_131 : memref<400x128xf32, #tpu.memory_space<hbm>>)
        tpu.yield
      }) : () -> ()
    } else {
    }
    return
  }
}

module attributes {stable_mosaic.version = 14 : i64} {
  func.func @_fused_proj_body(%arg0: i32, %arg1: memref<10000x128xf32, #tpu.memory_space<vmem>>, %arg2: memref<128x128xf32, #tpu.memory_space<vmem>>, %arg3: memref<1x128xf32, #tpu.memory_space<vmem>>, %arg4: memref<1600x128xf32, #tpu.memory_space<vmem>>, %arg5: memref<128x128xf32, #tpu.memory_space<vmem>>, %arg6: memref<10000x128xf32, #tpu.memory_space<vmem>>, %arg7: memref<1600x128xf32, #tpu.memory_space<vmem>>) attributes {dimension_semantics = [#tpu.dimension_semantics<arbitrary>], iteration_bounds = array<i64: 101>, scalar_prefetch = 0 : i64, scratch_operands = 0 : i64, tpu.core_type = #tpu.core_type<tc>, window_params = [{pipeline_mode = #tpu.pipeline_mode<synchronous>, transform_indices = @transform_0, window_bounds = array<i64: 10000, 128>}, {pipeline_mode = #tpu.pipeline_mode<synchronous>, transform_indices = @transform_1, window_bounds = array<i64: 128, 128>}, {pipeline_mode = #tpu.pipeline_mode<synchronous>, transform_indices = @transform_2, window_bounds = array<i64: 1, 128>}, {transform_indices = @transform_3, window_bounds = array<i64: 1600, 128>}, {pipeline_mode = #tpu.pipeline_mode<synchronous>, transform_indices = @transform_4, window_bounds = array<i64: 128, 128>}, {pipeline_mode = #tpu.pipeline_mode<synchronous>, transform_indices = @transform_5, window_bounds = array<i64: 10000, 128>}, {transform_indices = @transform_6, window_bounds = array<i64: 1600, 128>}]} {
    %eq3A = arith.constant 0 : i32
    %eq3A_0 = arith.cmpi eq, %arg0, %eq3A : i32
    %convert_element_type3A = arith.extui %eq3A_0 : i1 to i32
    %cond3A = arith.constant 0 : i32
    %cond3A_1 = arith.cmpi ne, %convert_element_type3A, %cond3A : i32
    scf.if %cond3A_1 {
      %get3A_10 = arith.constant 0 : index
      %get3A_11 = arith.constant 0 : index
      %get3A_12 = vector.load %arg1[%get3A_10, %get3A_11] : memref<10000x128xf32, #tpu.memory_space<vmem>>, vector<10000x128xf32>
      %get3A_13 = arith.constant 0 : index
      %get3A_14 = arith.constant 0 : index
      %get3A_15 = vector.load %arg2[%get3A_13, %get3A_14] : memref<128x128xf32, #tpu.memory_space<vmem>>, vector<128x128xf32>
      %dot_general3A_16 = arith.constant dense<0.000000e+00> : vector<10000x128xf32>
      %dot_general3A_17 = tpu.matmul %get3A_12, %get3A_15, %dot_general3A_16 {dimension_numbers = #tpu.dot_dimension_numbers<[1], [0], [0], [1], [0, 0, 1, 1], [], []>, precision = #tpu.contract_precision<fp32>, transpose_lhs_hint = false} : vector<10000x128xf32>, vector<128x128xf32>, vector<10000x128xf32> -> vector<10000x128xf32>
      %get3A_18 = arith.constant 0 : index
      %get3A_19 = arith.constant 0 : index
      %get3A_20 = vector.load %arg3[%get3A_18, %get3A_19] : memref<1x128xf32, #tpu.memory_space<vmem>>, vector<1x128xf32>
      %add3A = vector.broadcast %get3A_20 : vector<1x128xf32> to vector<10000x128xf32>
      %add3A_21 = arith.addf %dot_general3A_17, %add3A : vector<10000x128xf32>
      %swap3A_22 = arith.constant 0 : index
      %swap3A_23 = arith.constant 0 : index
      %swap3A_24 = vector.load %arg6[%swap3A_22, %swap3A_23] : memref<10000x128xf32, #tpu.memory_space<vmem>>, vector<10000x128xf32>
      tpu.vector_store %arg6[%swap3A_22, %swap3A_23], %add3A_21 {strides = array<i32>} : memref<10000x128xf32, #tpu.memory_space<vmem>>, vector<10000x128xf32>,
    } else {
    }
    %get3A = arith.constant 0 : index
    %get3A_2 = arith.constant 0 : index
    %get3A_3 = vector.load %arg4[%get3A, %get3A_2] : memref<1600x128xf32, #tpu.memory_space<vmem>>, vector<1600x128xf32>
    %get3A_4 = arith.constant 0 : index
    %get3A_5 = arith.constant 0 : index
    %get3A_6 = vector.load %arg5[%get3A_4, %get3A_5] : memref<128x128xf32, #tpu.memory_space<vmem>>, vector<128x128xf32>
    %dot_general3A = arith.constant dense<0.000000e+00> : vector<1600x128xf32>
    %dot_general3A_7 = tpu.matmul %get3A_3, %get3A_6, %dot_general3A {dimension_numbers = #tpu.dot_dimension_numbers<[1], [0], [0], [1], [0, 0, 1, 1], [], []>, precision = #tpu.contract_precision<fp32>, transpose_lhs_hint = false} : vector<1600x128xf32>, vector<128x128xf32>, vector<1600x128xf32> -> vector<1600x128xf32>
    %swap3A = arith.constant 0 : index
    %swap3A_8 = arith.constant 0 : index
    %swap3A_9 = vector.load %arg7[%swap3A, %swap3A_8] : memref<1600x128xf32, #tpu.memory_space<vmem>>, vector<1600x128xf32>
    tpu.vector_store %arg7[%swap3A, %swap3A_8], %dot_general3A_7 {strides = array<i32>} : memref<1600x128xf32, #tpu.memory_space<vmem>>, vector<1600x128xf32>,
    return
  }
  func.func @transform_0(%arg0: i32) -> (i32, i32) {
    %c0_i32 = arith.constant 0 : i32
    %c0_i32_0 = arith.constant 0 : i32
    %c0_i32_1 = arith.constant 0 : i32
    return %c0_i32, %c0_i32_0 : i32, i32
  }
  func.func @transform_1(%arg0: i32) -> (i32, i32) {
    %c0_i32 = arith.constant 0 : i32
    %c0_i32_0 = arith.constant 0 : i32
    %c0_i32_1 = arith.constant 0 : i32
    return %c0_i32, %c0_i32_0 : i32, i32
  }
  func.func @transform_2(%arg0: i32) -> (i32, i32) {
    %c0_i32 = arith.constant 0 : i32
    %c0_i32_0 = arith.constant 0 : i32
    %c0_i32_1 = arith.constant 0 : i32
    return %c0_i32, %c0_i32_0 : i32, i32
  }
  func.func @transform_3(%arg0: i32) -> (i32, i32) {
    %sub3A = arith.constant 1 : i32
    %sub3A_0 = arith.subi %arg0, %sub3A : i32
    %max3A = arith.constant 0 : i32
    %max3A_1 = arith.maxsi %sub3A_0, %max3A : i32
    %c0_i32 = arith.constant 0 : i32
    %c0_i32_2 = arith.constant 0 : i32
    return %max3A_1, %c0_i32 : i32, i32
  }
  func.func @transform_4(%arg0: i32) -> (i32, i32) {
    %c0_i32 = arith.constant 0 : i32
    %c0_i32_0 = arith.constant 0 : i32
    %c0_i32_1 = arith.constant 0 : i32
    return %c0_i32, %c0_i32_0 : i32, i32
  }
  func.func @transform_5(%arg0: i32) -> (i32, i32) {
    %c0_i32 = arith.constant 0 : i32
    %c0_i32_0 = arith.constant 0 : i32
    %c0_i32_1 = arith.constant 0 : i32
    return %c0_i32, %c0_i32_0 : i32, i32
  }
  func.func @transform_6(%arg0: i32) -> (i32, i32) {
    %sub3A = arith.constant 1 : i32
    %sub3A_0 = arith.subi %arg0, %sub3A : i32
    %max3A = arith.constant 0 : i32
    %max3A_1 = arith.maxsi %sub3A_0, %max3A : i32
    %c0_i32 = arith.constant 0 : i32
    %c0_i32_2 = arith.constant 0 : i32
    return %max3A_1, %c0_i32 : i32, i32
  }
}

module attributes {stable_mosaic.version = 14 : i64} {
  func.func @_edge_proj_body(%arg0: i32, %arg1: memref<1600x128xf32, #tpu.memory_space<vmem>>, %arg2: memref<128x128xf32, #tpu.memory_space<vmem>>, %arg3: memref<1600x128xf32, #tpu.memory_space<vmem>>) attributes {dimension_semantics = [#tpu.dimension_semantics<arbitrary>], iteration_bounds = array<i64: 100>, scalar_prefetch = 0 : i64, scratch_operands = 0 : i64, tpu.core_type = #tpu.core_type<tc>, window_params = [{transform_indices = @transform_0, window_bounds = array<i64: 1600, 128>}, {pipeline_mode = #tpu.pipeline_mode<synchronous>, transform_indices = @transform_1, window_bounds = array<i64: 128, 128>}, {transform_indices = @transform_2, window_bounds = array<i64: 1600, 128>}]} {
    %get3A = arith.constant 0 : index
    %get3A_0 = arith.constant 0 : index
    %get3A_1 = vector.load %arg1[%get3A, %get3A_0] : memref<1600x128xf32, #tpu.memory_space<vmem>>, vector<1600x128xf32>
    %get3A_2 = arith.constant 0 : index
    %get3A_3 = arith.constant 0 : index
    %get3A_4 = vector.load %arg2[%get3A_2, %get3A_3] : memref<128x128xf32, #tpu.memory_space<vmem>>, vector<128x128xf32>
    %dot_general3A = arith.constant dense<0.000000e+00> : vector<1600x128xf32>
    %dot_general3A_5 = tpu.matmul %get3A_1, %get3A_4, %dot_general3A {dimension_numbers = #tpu.dot_dimension_numbers<[1], [0], [0], [1], [0, 0, 1, 1], [], []>, precision = #tpu.contract_precision<fp32>, transpose_lhs_hint = false} : vector<1600x128xf32>, vector<128x128xf32>, vector<1600x128xf32> -> vector<1600x128xf32>
    %swap3A = arith.constant 0 : index
    %swap3A_6 = arith.constant 0 : index
    %swap3A_7 = vector.load %arg3[%swap3A, %swap3A_6] : memref<1600x128xf32, #tpu.memory_space<vmem>>, vector<1600x128xf32>
    tpu.vector_store %arg3[%swap3A, %swap3A_6], %dot_general3A_5 {strides = array<i32>} : memref<1600x128xf32, #tpu.memory_space<vmem>>, vector<1600x128xf32>,
    return
  }
  func.func @transform_0(%arg0: i32) -> (i32, i32) {
    %add3A = arith.constant 100 : i32
    %add3A_0 = arith.addi %arg0, %add3A : i32
    %c0_i32 = arith.constant 0 : i32
    %c0_i32_1 = arith.constant 0 : i32
    return %add3A_0, %c0_i32 : i32, i32
  }
  func.func @transform_1(%arg0: i32) -> (i32, i32) {
    %c0_i32 = arith.constant 0 : i32
    %c0_i32_0 = arith.constant 0 : i32
    %c0_i32_1 = arith.constant 0 : i32
    return %c0_i32, %c0_i32_0 : i32, i32
  }
  func.func @transform_2(%arg0: i32) -> (i32, i32) {
    %c0_i32 = arith.constant 0 : i32
    %c0_i32_0 = arith.constant 0 : i32
    return %arg0, %c0_i32 : i32, i32
  }
}

module attributes {stable_mosaic.version = 14 : i64} {
  func.func @_update_body(%arg0: i32, %arg1: memref<2000x128xf32, #tpu.memory_space<vmem>>, %arg2: memref<2x2000x128xf32, #tpu.memory_space<vmem>>, %arg3: memref<128x128xf32, #tpu.memory_space<vmem>>, %arg4: memref<128x128xf32, #tpu.memory_space<vmem>>, %arg5: memref<1x128xf32, #tpu.memory_space<vmem>>, %arg6: memref<128x128xf32, #tpu.memory_space<vmem>>, %arg7: memref<1x128xf32, #tpu.memory_space<vmem>>, %arg8: memref<2000x128xf32, #tpu.memory_space<vmem>>) attributes {dimension_semantics = [#tpu.dimension_semantics<arbitrary>], iteration_bounds = array<i64: 5>, scalar_prefetch = 0 : i64, scratch_operands = 0 : i64, tpu.core_type = #tpu.core_type<tc>, window_params = [{transform_indices = @transform_0, window_bounds = array<i64: 2000, 128>}, {transform_indices = @transform_1, window_bounds = array<i64: 2, 2000, 128>}, {pipeline_mode = #tpu.pipeline_mode<synchronous>, transform_indices = @transform_2, window_bounds = array<i64: 128, 128>}, {pipeline_mode = #tpu.pipeline_mode<synchronous>, transform_indices = @transform_3, window_bounds = array<i64: 128, 128>}, {pipeline_mode = #tpu.pipeline_mode<synchronous>, transform_indices = @transform_4, window_bounds = array<i64: 1, 128>}, {pipeline_mode = #tpu.pipeline_mode<synchronous>, transform_indices = @transform_5, window_bounds = array<i64: 128, 128>}, {pipeline_mode = #tpu.pipeline_mode<synchronous>, transform_indices = @transform_6, window_bounds = array<i64: 1, 128>}, {transform_indices = @transform_7, window_bounds = array<i64: 2000, 128>}]} {
    %get3A = arith.constant 0 : index
    %get3A_0 = arith.constant 0 : index
    %get3A_1 = vector.load %arg1[%get3A, %get3A_0] : memref<2000x128xf32, #tpu.memory_space<vmem>>, vector<2000x128xf32>
    %get3A_2 = arith.constant 0 : index
    %get3A_3 = arith.constant 0 : index
    %get3A_4 = arith.constant 0 : index
    %get3A_5 = vector.load %arg2[%get3A_2, %get3A_3, %get3A_4] : memref<2x2000x128xf32, #tpu.memory_space<vmem>>, vector<1x2000x128xf32>
    %get3A_6 = vector.shape_cast %get3A_5 : vector<1x2000x128xf32> to vector<2000x128xf32>
    %get3A_7 = arith.constant 1 : index
    %get3A_8 = arith.constant 0 : index
    %get3A_9 = arith.constant 0 : index
    %get3A_10 = vector.load %arg2[%get3A_7, %get3A_8, %get3A_9] : memref<2x2000x128xf32, #tpu.memory_space<vmem>>, vector<1x2000x128xf32>
    %get3A_11 = vector.shape_cast %get3A_10 : vector<1x2000x128xf32> to vector<2000x128xf32>
    %add3A = arith.addf %get3A_6, %get3A_11 : vector<2000x128xf32>
    %get3A_12 = arith.constant 0 : index
    %get3A_13 = arith.constant 0 : index
    %get3A_14 = vector.load %arg3[%get3A_12, %get3A_13] : memref<128x128xf32, #tpu.memory_space<vmem>>, vector<128x128xf32>
    %dot_general3A = arith.constant dense<0.000000e+00> : vector<2000x128xf32>
    %dot_general3A_15 = tpu.matmul %get3A_1, %get3A_14, %dot_general3A {dimension_numbers = #tpu.dot_dimension_numbers<[1], [0], [0], [1], [0, 0, 1, 1], [], []>, precision = #tpu.contract_precision<fp32>, transpose_lhs_hint = false} : vector<2000x128xf32>, vector<128x128xf32>, vector<2000x128xf32> -> vector<2000x128xf32>
    %get3A_16 = arith.constant 0 : index
    %get3A_17 = arith.constant 0 : index
    %get3A_18 = vector.load %arg4[%get3A_16, %get3A_17] : memref<128x128xf32, #tpu.memory_space<vmem>>, vector<128x128xf32>
    %dot_general3A_19 = arith.constant dense<0.000000e+00> : vector<2000x128xf32>
    %dot_general3A_20 = tpu.matmul %add3A, %get3A_18, %dot_general3A_19 {dimension_numbers = #tpu.dot_dimension_numbers<[1], [0], [0], [1], [0, 0, 1, 1], [], []>, precision = #tpu.contract_precision<fp32>, transpose_lhs_hint = false} : vector<2000x128xf32>, vector<128x128xf32>, vector<2000x128xf32> -> vector<2000x128xf32>
    %add3A_21 = arith.addf %dot_general3A_15, %dot_general3A_20 : vector<2000x128xf32>
    %get3A_22 = arith.constant 0 : index
    %get3A_23 = arith.constant 0 : index
    %get3A_24 = vector.load %arg5[%get3A_22, %get3A_23] : memref<1x128xf32, #tpu.memory_space<vmem>>, vector<1x128xf32>
    %add3A_25 = vector.broadcast %get3A_24 : vector<1x128xf32> to vector<2000x128xf32>
    %add3A_26 = arith.addf %add3A_21, %add3A_25 : vector<2000x128xf32>
    %logistic3A = arith.negf %add3A_26 : vector<2000x128xf32>
    %logistic3A_27 = math.exp %logistic3A : vector<2000x128xf32>
    %logistic3A_28 = arith.constant 1.000000e+00 : f32
    %logistic3A_29 = vector.broadcast %logistic3A_28 : f32 to vector<2000x128xf32>
    %logistic3A_30 = arith.addf %logistic3A_29, %logistic3A_27 : vector<2000x128xf32>
    %logistic3A_31 = arith.divf %logistic3A_29, %logistic3A_30 : vector<2000x128xf32>
    %mul3A = arith.mulf %add3A_26, %logistic3A_31 : vector<2000x128xf32>
    %get3A_32 = arith.constant 0 : index
    %get3A_33 = arith.constant 0 : index
    %get3A_34 = vector.load %arg6[%get3A_32, %get3A_33] : memref<128x128xf32, #tpu.memory_space<vmem>>, vector<128x128xf32>
    %dot_general3A_35 = arith.constant dense<0.000000e+00> : vector<2000x128xf32>
    %dot_general3A_36 = tpu.matmul %mul3A, %get3A_34, %dot_general3A_35 {dimension_numbers = #tpu.dot_dimension_numbers<[1], [0], [0], [1], [0, 0, 1, 1], [], []>, precision = #tpu.contract_precision<fp32>, transpose_lhs_hint = false} : vector<2000x128xf32>, vector<128x128xf32>, vector<2000x128xf32> -> vector<2000x128xf32>
    %add3A_37 = arith.addf %get3A_1, %dot_general3A_36 : vector<2000x128xf32>
    %get3A_38 = arith.constant 0 : index
    %get3A_39 = arith.constant 0 : index
    %get3A_40 = vector.load %arg7[%get3A_38, %get3A_39] : memref<1x128xf32, #tpu.memory_space<vmem>>, vector<1x128xf32>
    %add3A_41 = vector.broadcast %get3A_40 : vector<1x128xf32> to vector<2000x128xf32>
    %add3A_42 = arith.addf %add3A_37, %add3A_41 : vector<2000x128xf32>
    %swap3A = arith.constant 0 : index
    %swap3A_43 = arith.constant 0 : index
    %swap3A_44 = vector.load %arg8[%swap3A, %swap3A_43] : memref<2000x128xf32, #tpu.memory_space<vmem>>, vector<2000x128xf32>
    tpu.vector_store %arg8[%swap3A, %swap3A_43], %add3A_42 {strides = array<i32>} : memref<2000x128xf32, #tpu.memory_space<vmem>>, vector<2000x128xf32>,
    return
  }
  func.func @transform_0(%arg0: i32) -> (i32, i32) {
    %c0_i32 = arith.constant 0 : i32
    %c0_i32_0 = arith.constant 0 : i32
    return %arg0, %c0_i32 : i32, i32
  }
  func.func @transform_1(%arg0: i32) -> (i32, i32, i32) {
    %c0_i32 = arith.constant 0 : i32
    %c0_i32_0 = arith.constant 0 : i32
    %c0_i32_1 = arith.constant 0 : i32
    return %c0_i32, %arg0, %c0_i32_0 : i32, i32, i32
  }
  func.func @transform_2(%arg0: i32) -> (i32, i32) {
    %c0_i32 = arith.constant 0 : i32
    %c0_i32_0 = arith.constant 0 : i32
    %c0_i32_1 = arith.constant 0 : i32
    return %c0_i32, %c0_i32_0 : i32, i32
  }
  func.func @transform_3(%arg0: i32) -> (i32, i32) {
    %c0_i32 = arith.constant 0 : i32
    %c0_i32_0 = arith.constant 0 : i32
    %c0_i32_1 = arith.constant 0 : i32
    return %c0_i32, %c0_i32_0 : i32, i32
  }
  func.func @transform_4(%arg0: i32) -> (i32, i32) {
    %c0_i32 = arith.constant 0 : i32
    %c0_i32_0 = arith.constant 0 : i32
    %c0_i32_1 = arith.constant 0 : i32
    return %c0_i32, %c0_i32_0 : i32, i32
  }
  func.func @transform_5(%arg0: i32) -> (i32, i32) {
    %c0_i32 = arith.constant 0 : i32
    %c0_i32_0 = arith.constant 0 : i32
    %c0_i32_1 = arith.constant 0 : i32
    return %c0_i32, %c0_i32_0 : i32, i32
  }
  func.func @transform_6(%arg0: i32) -> (i32, i32) {
    %c0_i32 = arith.constant 0 : i32
    %c0_i32_0 = arith.constant 0 : i32
    %c0_i32_1 = arith.constant 0 : i32
    return %c0_i32, %c0_i32_0 : i32, i32
  }
  func.func @transform_7(%arg0: i32) -> (i32, i32) {
    %c0_i32 = arith.constant 0 : i32
    %c0_i32_0 = arith.constant 0 : i32
    return %arg0, %c0_i32 : i32, i32
  }
}

</mosaic_0001>

<sc_bundles>
// kernel: kernel.10.cloned.1.call-start
scs
__scs_entry_jumppad:
0x0: {  	(pc) =	sbr.rel $0x88, $3  }
0x1: {  	(tag) =	ssettag $0x0;
	lr =	simm.s32 $0x1  }
0x2: {  	[smem:$0x3F98] =	sst lr;
	_ =	strace $0xD0000000  }
0x3: {  	_ = 	snop  }
0x4: {  	_ = 	snop  }
0x5: {  	_ = 	snop  }
0x6: {  	_ = 	snop  }
0x7: {  	_ = 	snop  }
__scs_overlays_trampoline_lowered:
0x8: {  	[smem:$0x3FA7] =	sst s0  }
0x9: {  	[smem:$0x3FA8] =	sst s1  }
0xa: {  	[smem:$0x3FA9] =	sst s2  }
0xb: {  	[smem:$0x3FAA] =	sst s3  }
0xc: {  	[smem:$0x3FAB] =	sst s4  }
0xd: {  	[smem:$0x3FAC] =	sst s5  }
0xe: {  	[smem:$0x3FAD] =	sst s6  }
0xf: {  	[smem:$0x3FAE] =	sst s7  }
0x10: {  	[smem:$0x3FAF] =	sst s8  }
0x11: {  	[smem:$0x3FB0] =	sst s9;
	s0 =	simm.s32 @!p0 $0x0  }
0x12: {  	s1 =	sld [smem:$0x3F96];
	s0 =	simm.s32 @p0 $0x1  }
0x13: {  	[smem:$0x3FB1] =	sst s0;
	s0 =	simm.s32 @!p1 $0x0  }
0x14: {  	s2 =	sld [smem:$0x3F95];
	s0 =	simm.s32 @p1 $0x1  }
0x15: {  	[smem:$0x3FB2] =	sst s0;
	s0 =	simm.s32 @!p2 $0x0  }
0x16: {  	s3 =	sld [smem:$0x3FDB];
	s0 =	simm.s32 @p2 $0x1  }
0x17: {  	s4 =	simm.s32 $0x1BF5;
	[smem:$0x3FB4] =	sst s0  }
0x18: {  	s0 =	sld [smem:$0x3F97];
	_ =	swait.ge [sflag:s4], $0x0  }
0x19: {  	s7 =	sld [smem:$0x3F98]  }
0x1a: {  	s8 =	sadd.s32 $0xFFFFE003, lr  }
0x1b: {  	s9 =	sadd.s32 $0xFFFFFEF7, lr;
	s5 =	simm.s32 $0xFFFFFFFF;
	p2 =	slt.u32 s8, $0xFFFFF086  }
0x1c: {  	p1 =	slt.u32 s9, $0xF7A;
	s5 =	simm.s32 @!p2 $0x0  }
0x1d: {  	s5 =	simm.s32 @p1 $0x1;
	p0 =	seq.s32 s7, s2  }
0x1e: {  	s7 =	smul.u32 @!p0 $0xF7A, s2;
	p2 =	seq.s32 @!p0 s5, $0x0  }
0x1f: {  	s9 =	smul.u32 $0xF7A, s1;
	s8 =	simm.s32 @!p0 $0x1BF5;
	p2 =	por !p2, p0  }
0x20: {  	[sflag:s8] =	ssyncset.s32 @!p0 $0xFFFFF086;
	s6 =	sadd.s32 @!p0 s3, s7;
	s7 =	simm.s32 @!p0 $0x108  }
0x21: {  	s3 =	sadd.s32 s3, s9;
	s6 =	sadd.s32 @!p0 $0x88, s6;
	s7 =	simm.s32 @p2 $0x1082  }
0x22: {  	[simem:s7], [sflag:s8] =	dma.local @!p0 [hbm:s6], $0xF7A  }
0x23: {  	s9 =	sor.u32 $0xD0000000, s2;
	s6 =	simm.s32 $0x108;
	_ =	swait.ge @!p0 [sflag:s8], $0x0  }
0x24: {  	s3 =	sadd.s32 $0x88, s3;
	s6 =	simm.s32 @!p1 $0x1082;
	[sflag:s4] =	ssyncset.s32 $0xFFFFF086  }
0x25: {  	[simem:s6], [sflag:s4] =	dma.local [hbm:s3], $0xF7A  }
0x26: {  	[smem:$0x3F98] =	sst s1;
	(tag) =	ssettag s2;
	_ =	strace s9  }
0x27: {  	s1 =	sld [smem:$0x3FA8]  }
0x28: {  	s2 =	sld [smem:$0x3FA9]  }
0x29: {  	s4 =	sld [smem:$0x3FAB]  }
0x2a: {  	p0 =	seq.s32 s5, $0x0;
	s5 =	sld [smem:$0x3FAC]  }
0x2b: {  	s6 =	sld [smem:$0x3FAD]  }
0x2c: {  	s7 =	sld [smem:$0x3FAE]  }
0x2d: {  	s3 =	simm.s32 $0x108;
	s8 =	sld [smem:$0x3FAF]  }
0x2e: {  	s3 =	simm.s32 @!p0 $0x1082;
	s9 =	sld [smem:$0x3FB0]  }
0x2f: {  	lr =	sadd.s32 s0, s3;
	s0 =	sld [smem:$0x3FA7]  }
0x30: {  	s3 =	sld [smem:$0x3FAA]  }
0x31: {  	[smem:$0x3FB3] =	sst s10  }
0x32: {  	s10 =	sld [smem:$0x3FB1];
	_ =	sdelay $0x3  }
0x33: {  	p0 =	seq.s32 s10, $0x1;
	s10 =	sld [smem:$0x3FB3];
	_ =	sdelay $0x3  }
0x34: {  	[smem:$0x3FB3] =	sst s10  }
0x35: {  	s10 =	sld [smem:$0x3FB2];
	_ =	sdelay $0x3  }
0x36: {  	p1 =	seq.s32 s10, $0x1;
	s10 =	sld [smem:$0x3FB3];
	_ =	sdelay $0x3  }
0x37: {  	[smem:$0x3FB3] =	sst s10  }
0x38: {  	s10 =	sld [smem:$0x3FB4]  }
0x39: {  	_ = 	snop;
	(pc) =	sbr.ind lr, $3  }
0x3a: {  	_ = 	snop  }
0x3b: {  	_ = 	snop  }
0x3c: {  	p2 =	seq.s32 s10, $0x1;
	s10 =	sld [smem:$0x3FB3]  }
0x3d: {  	_ =	shalt  }
0x3e: {  	_ =	shalt  }
0x3f: {  	_ =	shalt  }
0x40: {  	_ =	shalt  }
0x41: {  	_ =	shalt  }
0x42: {  	_ =	shalt  }
0x43: {  	_ =	shalt  }
0x44: {  	_ =	shalt  }
0x45: {  	_ =	shalt  }
0x46: {  	_ =	shalt  }
0x47: {  	_ =	shalt  }
0x48: {  	_ =	shalt  }
0x49: {  	_ =	shalt  }
0x4a: {  	_ =	shalt  }
0x4b: {  	_ =	shalt  }
0x4c: {  	_ =	shalt  }
0x4d: {  	_ =	shalt  }
0x4e: {  	_ =	shalt  }
0x4f: {  	_ =	shalt  }
0x50: {  	_ =	shalt  }
0x51: {  	_ =	shalt  }
0x52: {  	_ =	shalt  }
0x53: {  	_ =	shalt  }
0x54: {  	_ =	shalt  }
0x55: {  	_ =	shalt  }
0x56: {  	_ =	shalt  }
0x57: {  	_ =	shalt  }
0x58: {  	_ =	shalt  }
0x59: {  	_ =	shalt  }
0x5a: {  	_ =	shalt  }
0x5b: {  	_ =	shalt  }
0x5c: {  	_ =	shalt  }
0x5d: {  	_ =	shalt  }
0x5e: {  	_ =	shalt  }
0x5f: {  	_ =	shalt  }
0x60: {  	_ =	shalt  }
0x61: {  	_ =	shalt  }
0x62: {  	_ =	shalt  }
0x63: {  	_ =	shalt  }
0x64: {  	_ =	shalt  }
0x65: {  	_ =	shalt  }
0x66: {  	_ =	shalt  }
0x67: {  	_ =	shalt  }
0x68: {  	_ =	shalt  }
0x69: {  	_ =	shalt  }
0x6a: {  	_ =	shalt  }
0x6b: {  	_ =	shalt  }
0x6c: {  	_ =	shalt  }
0x6d: {  	_ =	shalt  }
0x6e: {  	_ =	shalt  }
0x6f: {  	_ =	shalt  }
0x70: {  	_ =	shalt  }
0x71: {  	_ =	shalt  }
0x72: {  	_ =	shalt  }
0x73: {  	_ =	shalt  }
0x74: {  	_ =	shalt  }
0x75: {  	_ =	shalt  }
0x76: {  	_ =	shalt  }
0x77: {  	_ =	shalt  }
0x78: {  	_ =	shalt  }
0x79: {  	_ =	shalt  }
0x7a: {  	_ =	shalt  }
0x7b: {  	_ =	shalt  }
0x7c: {  	_ =	shalt  }
0x7d: {  	_ =	shalt  }
0x7e: {  	_ =	shalt  }
0x7f: {  	_ =	shalt  }
0x80: {  	_ =	shalt  }
0x81: {  	_ =	shalt  }
0x82: {  	_ =	shalt  }
0x83: {  	_ =	shalt  }
0x84: {  	_ =	shalt  }
0x85: {  	_ =	shalt  }
0x86: {  	_ =	shalt  }
0x87: {  	_ =	shalt  }
.Lfunc_end0:
.L_simem_size_0:
called_computation.1_lowered:
.L_overlay_start_0:
0x88: {  	s2 =	sld [smem:$0x3FD9]  }
0x89: {  	s3 =	sld [smem:$0x3FFE];
	_ =	sdelay $0x1  }
0x8a: {  	s1 =	srdreg.scid  }
0x8b: {  	s0 =	sand.u32 $0x1, s1  }
0x8c: {  	s17 =	sshll.u32 s0, $0xA;
	s2 =	sadd.s32 s3, s2  }
0x8d: {  	s2 =	sadd.s32 s2, s17  }
0x8e: {  	[smem:$0x3FBF] =	sst s2  }
0x8f: {  	_ = 	snop  }
0x90: {  	s2 =	sld [smem:$0x3FD0];
	(tm) =	ssettm $0x1  }
0x91: {  	s18 =	sld [smem:$0x3FFB];
	_ =	sdelay $0x3  }
0x92: {  	_ =	strace s18  }
0x93: {  	s3 =	sld [smem:$0x3FFC];
	_ =	sdelay $0x3  }
0x94: {  	_ =	strace s3  }
0x95: {  	s3 =	sld [smem:$0x3FFD];
	_ =	sdelay $0x3  }
0x96: {  	_ =	strace s3  }
0x97: {  	_ =	strace $0x8FFFFFFF  }
0x98: {  	s19 =	sld [smem:$0x3FDB];
	_ =	sdelay $0x1  }
0x99: {  	s4 =	simm.s32 $_scs_section_size  }
0x9a: {  	s5 =	simm.s32 $_size__tile_overlayer_lowered;
	s6 =	simm.s32 $_tile_overlayer_lowered  }
0x9b: {  	s22 =	simm.s32 $0x1BFF;
	s21 =	sshll.u32 s6, $0x1;
	s3 =	sadd.s32 s4, s19  }
0x9c: {  	s7 =	simm.s32 $0x0;
	s20 =	sshll.u32 s5, $0x1;
	s5 =	sadd.s32 s21, s3  }
0x9d: {  	[timem:s7], [sflag:s22] =	dma.local [hbm:s5], s20  }
0x9e: {  	_ =	swait.ge [sflag:s22], s20  }
0x9f: {  	s4 =	ssub.s32 $0x0, s20;
	[sflag:s22] =	ssyncset.done $0x0  }
0xa0: {  	[sflag:s22] =	ssyncadd.s32 s4;
	_ =	sdelay $0x1  }
0xa1: {  	s23 =	simm.s32 $0x1B8B  }
0xa2: {  	_ =	swait.ge [sflag:s23], $0x1  }
0xa3: {  	[sflag:s23] =	ssyncset.done $0x0  }
0xa4: {  	s25 =	simm.s32 $0x1B8E;
	s24 =	sld [smem:$0x3FFE];
	[sflag:s23] =	ssyncadd.s32 $0xFFFFFFFF  }
0xa5: {  	s26 =	simm.s32 $execute0_lowered;
	[smem:$0x3FD2] =	sst s25  }
0xa6: {  	s5 =	sshll.u32 s26, $0x1;
	_ =	strace $0x80000049;
	[dreg:$0x1] =	wrdreg $0xFFFFFFFF  }
0xa7: {  	s28 =	simm.s32 $_size_execute0_lowered;
	s3 =	sadd.s32 s3, s5;
	[dreg:$0x0] =	wrdreg $0x0  }
0xa8: {  	s5 =	sshll.u32 s28, $0x1;
	[dreg:$0x2] =	wrdreg s3  }
0xa9: {  	[dreg:$0x3] =	wrdreg s5  }
0xaa: {  	[dreg:$0x4] =	wrdreg $0xC0  }
0xab: {  	_ =	task [dreg:s7], $0x5FFFF  }
0xac: {  	[dreg:$0x1] =	wrdreg $0xFFFFFFFF  }
0xad: {  	[dreg:$0x0] =	wrdreg $0x60  }
0xae: {  	[dreg:$0x2] =	wrdreg s2  }
0xaf: {  	[dreg:$0x3] =	wrdreg s24  }
0xb0: {  	[dreg:$0x4] =	wrdreg $0x65000  }
0xb1: {  	[dreg:$0x5] =	wrdreg $0x9  }
0xb2: {  	_ =	task.clear_ibuf [dreg:s7], $0x6FFFF;
	_ =	strace $0x90000049  }
0xb3: {  	s29 =	simm.s32 $0x9;
	_ =	strace $0x8000004B  }
0xb4: {  	_ =	swait.ge [sflag:s29], $0x1  }
0xb5: {  	[sflag:s29] =	ssyncadd.s32 $0xFFFFFFFF  }
0xb6: {  	_ =	strace $0x9000004B  }
0xb7: {  	_ =	sfence  }
0xb8: {  	s30 =	sld [smem:$0x0];
	_ =	sdelay $0x2  }
0xb9: {  	s31 =	sshll.u32 s1, $0xD;
	s1 =	sshrl.u32 s1, $0x2  }
0xba: {  	s3 =	sand.u32 $0x4000, s31;
	s1 =	sadd.s32 s1, s30  }
0xbb: {  	s0 =	sor.u32 s3, s0;
	s1 =	sshll.u32 s1, $0x11  }
0xbc: {  	s0 =	sor.u32 s1, s0  }
0xbd: {  	s0 =	sadd.s32 $0x8F2B, s0  }
0xbe: {  	[sflag:s0] =	ssyncadd.remote.s32 $0x1  }
0xbf: {  	_ =	sfence.sel $0xFFFF  }
0xc0: {  	[dreg:$0x0] =	wrdreg $0xFFFFFFFF;
	(pc) =	sbr.abs _section_cstart, $3  }
0xc1: {  	[dreg:$0x1] =	wrdreg $0xFFFFFFFF  }
0xc2: {  	_ =	task.clear_ibuf [dreg:s7], $0x2FFFF;
	_ =	strace $0x9FFFFFFF  }
0xc3: {  	(tm) =	ssettm $0x7FFFFFFF  }
tec
execute0_lowered:
.L_overlay_start_1:
0x0: {  	(tag) =	ssettag $0x1  }
0x1: {  	s1 =	rddreg [dreg:$0x0]  }
0x2: {  	s0 =	srdreg.scid;
	s5 =	rddreg [dreg:$0x1]  }
0x3: {  	s18 =	stileid.u32;
	s3 =	rddreg [dreg:$0x2];
	s4 =	simm.s32 $0x0  }
0x4: {  	s28 =	simm.s32 $0x1480;
	s29 =	simm.s32 $0x2900;
	s30 =	simm.s32 $0x5100  }
0x5: {  	s31 =	simm.s32 $0x1;
	s0 =	sand.u32 $0x1, s0;
	s14 =	smul.u32 $0x14000, s18  }
0x6: {  	s2 =	sshll.u32 s18, $0x1;
	[smem:$0x7FF] =	sst s4;
	s17 =	smul.u32 $0x50000, s18  }
0x7: {  	s9 =	sadd.s32 $0x322800, s5;
	s12 =	sadd.s32 $0x1800, s5;
	s21 =	smul.u32 $0x2710, s18  }
0x8: {  	s25 =	sadd.s32 $0x12C000, s3;
	s2 =	sor.u32 s0, s2;
	s11 =	smul.u32 $0x138800, s0  }
0x9: {  	_ =	strace $0x8000004A;
	[dreg:$0x7] =	wrdreg s25;
	s25 =	smul.u32 $0x27100, s18  }
0xa: {  	s15 =	sadd.s32 $0x2D4600, s5;
	s13 =	ssub.s32 $0x2, s0;
	s6 =	smul.u32 $0x1388, s2  }
0xb: {  	p0 =	seq.s32 s18, $0xF;
	s16 =	sshrl.u32 s13, $0x1;
	s26 =	smul.u32 $0x9C400, s2  }
0xc: {  	s22 =	sshrl.u32 s17, $0x2;
	s2 =	smul.u32 $0x13880, s2;
	s13 =	ssub.s32 s13, s16  }
0xd: {  	s14 =	sadd.s32 s14, s11;
	s24 =	sshrl.u32 s11, $0x3;
	s7 =	sshrl.u32 s6, $0x3  }
0xe: {  	s14 =	sshrl.u32 s14, $0x3;
	s6 =	sadd.s32 $0x27128, s6;
	s16 =	sadd.s32 s9, s2  }
0xf: {  	s8 =	sadd.s32 $0x4E20, s7;
	s23 =	sadd.s32 s15, s14;
	s6 =	sshrl.u32 s6, $0x3  }
0x10: {  	[dreg:$0xa] =	wrdreg s16;
	s10 =	sadd.s32 s8, s5;
	s5 =	sadd.s32 $0x15400, s5  }
0x11: {  	[dreg:$0x6] =	wrdreg s23;
	s8 =	sadd.s32 s12, s8;
	s23 =	smul.u32 $0x1388, s0  }
0x12: {  	s17 =	sadd.s32 s12, s6;
	s0 =	smul.u32 $0x13880, s0;
	[dreg:$0x9] =	wrdreg s8  }
0x13: {  	s10 =	sadd.s32 $0xB600, s10;
	[dreg:$0xb] =	wrdreg s17;
	s20 =	sadd.s32 s5, s14  }
0x14: {  	s8 =	simm.s32 $0x8;
	[dreg:$0x4] =	wrdreg s10;
	s10 =	sadd.s32 s22, s3  }
0x15: {  	[dreg:$0xd] =	wrdreg s20;
	s22 =	sadd.s32 s12, s7;
	s7 =	simm.s32 $0x6  }
0x16: {  	[dreg:$0x5] =	wrdreg s10;
	s10 =	sadd.s32 $0x25800, s24;
	s24 =	smax.u32 s13, $0x1  }
0x17: {  	s15 =	sadd.s32 s15, s10;
	s5 =	sadd.s32 s5, s10;
	[dreg:$0xf] =	wrdreg s24  }
0x18: {  	s24 =	simm.s32 $0x28;
	[dreg:$0x8] =	wrdreg s15;
	s15 =	sshrl.u32 s26, $0x3  }
0x19: {  	[dreg:$0xe] =	wrdreg s5;
	s5 =	sadd.s32 $0x508C, s22;
	s26 =	sadd.s32 $0x13600, s16  }
0x1a: {  	s22 =	simm.s32 $0x3;
	s19 =	sadd.s32 s9, s15;
	[dreg:$0x10] =	wrdreg s5  }
0x1b: {  	[dreg:$0x11] =	wrdreg s26;
	s5 =	sadd.s32 s25, s9;
	s25 =	simm.s32 $0x1500  }
0x1c: {  	s26 =	simm.s32 $0x3D00;
	s9 =	simm.s32 $0x0;
	s2 =	sadd.s32 $0x280, s19  }
0x1d: {  	s0 =	sadd.s32 s0, s5;
	[dreg:$0xc] =	wrdreg s2;
	s2 =	sadd.s32 s23, s21  }
0x1e: {  	s5 =	simm.s32 $0x2;
	s16 =	sadd.s32 $0x780, s0;
	s6 =	sadd.s32 $0x27178, s2  }
0x1f: {  	s23 =	simm.s32 $0x1400;
	s2 =	sadd.s32 $0x27150, s2;
	s6 =	sshrl.u32 s6, $0x3  }
0x20: {  	s0 =	simm.s32 $0x7;
	s2 =	sshrl.u32 s2, $0x3;
	s19 =	sadd.s32 s6, s12  }
0x21: {  	s21 =	sadd.s32 s2, s12;
	s2 =	simm.s32 $0x5;
	s6 =	simm.s32 $0x4  }
.LBB2_1:
0x22: {  	s10 =	rddreg [dreg:$0x4]  }
0x23: {  	[tilespmem:s4], [sflag:$0x3] =	stream.linear.gather [hbm4b:s10+s4], $0x1388, $0x38;
	[tilespmem:$0x19D80] =	vst v63  }
0x24: {  	s10 =	rddreg [dreg:$0x7]  }
0x25: {  	s11 =	simm.s32 @p0 $0x1FC1;
	s12 =	rddreg [dreg:$0x8];
	s10 =	sshrl.u32 @p0 s10, $0x3  }
0x26: {  	[spmem:s10], [sflag:s11] =	dma.local @p0 [hbm:s12], $0x1900  }
0x27: {  	s11 =	simm.s32 @p0 $0x1  }
0x28: {  	_ =	swait.ge @p0 [sflag:s11], $0x1900  }
0x29: {  	s12 =	stileid.u32;
	s13 =	rddreg [dreg:$0x5]  }
0x2a: {  	s12 =	sshll.u32 @!p0 s12, $0x6;
	[sflag:s11] =	ssyncset.done @p0 $0x0;
	s14 =	rddreg [dreg:$0x6]  }
0x2b: {  	[sflag:s11] =	ssyncadd.s32 @p0 $0xFFFFE700;
	s11 =	sor.u32 @!p0 $0x1C01, s12;
	s13 =	sshrl.u32 @!p0 s13, $0x3  }
0x2c: {  	[spmem:s13], [sflag:s11] =	dma.local @!p0 [hbm:s14], $0x2800  }
0x2d: {  	s11 =	simm.s32 @!p0 $0x1  }
0x2e: {  	_ =	swait.ge @!p0 [sflag:s11], $0x2800  }
0x2f: {  	[sflag:s11] =	ssyncset.done @!p0 $0x0  }
0x30: {  	[sflag:s11] =	ssyncadd.s32 @!p0 $0xFFFFD800  }
0x31: {  	_ =	swait.ge [sflag:s22], $0x1388  }
0x32: {  	[sflag:s22] =	ssyncset.done $0x0  }
0x33: {  	[sflag:s22] =	ssyncadd.s32 $0xFFFFEC78  }
0x34: {  	[bflag:$0x0] =	sbarrier.arrive $0xFFFF  }
0x35: {  	s15 =	rddreg [dreg:$0x9]  }
0x36: {  	[tilespmem:s23], [sflag:$0x1] =	stream.linear.gather [hbm4b:s15+s4], $0x28, $0x38;
	[tilespmem:$0x19D80] =	vst v63  }
0x37: {  	_ = 	snop  }
0x38: {  	[tilespmem:s25], [sflag:$0x3] =	stream.indirect.gather [hbm4b:s1+s24], $0x80, s4, s24, $0xb8;
	[tilespmem:$0x19D80] =	vst v63  }
0x39: {  	s17 =	rddreg [dreg:$0xa]  }
0x3a: {  	[tilespmem:s26], [sflag:$0x5] =	stream.linear.gather [hbm4b:s17+s4], $0x1400, $0x38;
	[tilespmem:$0x19D80] =	vst v63  }
0x3b: {  	s18 =	rddreg [dreg:$0xb]  }
0x3c: {  	[tilespmem:s28], [sflag:$0x2] =	stream.linear.gather [hbm4b:s18+s4], $0x28, $0x38;
	[tilespmem:$0x19D80] =	vst v63  }
0x3d: {  	_ = 	snop  }
0x3e: {  	[tilespmem:s29], [sflag:$0x4] =	stream.indirect.gather [hbm4b:s1+s24], $0x80, s24, s24, $0xb8;
	[tilespmem:$0x19D80] =	vst v63  }
0x3f: {  	s20 =	rddreg [dreg:$0xc]  }
0x40: {  	[tilespmem:s30], [sflag:$0x6] =	stream.linear.gather [hbm4b:s20+s4], $0x1400, $0x38;
	[tilespmem:$0x19D80] =	vst v63  }
0x41: {  	_ =	swait.ge [sflag:s31], $0x28  }
0x42: {  	[sflag:s31] =	ssyncset.done $0x0  }
0x43: {  	[sflag:s31] =	ssyncadd.s32 $0xFFFFFFD8  }
0x44: {  	_ =	swait.ge [sflag:s22], $0x1400  }
0x45: {  	[sflag:s22] =	ssyncset.done $0x0  }
0x46: {  	[sflag:s22] =	ssyncadd.s32 $0xFFFFEC00  }
0x47: {  	_ =	swait.ge [sflag:s2], $0x1400  }
0x48: {  	[sflag:s2] =	ssyncset.done $0x0  }
0x49: {  	[sflag:s2] =	ssyncadd.s32 $0xFFFFEC00  }
0x4a: {  	[spmem:s3] =	stream.indirect.scatter.add.f32 [tilespmem:s26], [sflag:$0x7], $0x80, s23, s24, $0xb8;
	[tilespmem:$0x19D80] =	vst v63  }
0x4b: {  	_ =	swait.ge [sflag:s0], $0x1400  }
0x4c: {  	[sflag:s0] =	ssyncset.done $0x0  }
0x4d: {  	s14 =	sadd.s32 $0x0, s21;
	[sflag:s0] =	ssyncadd.s32 $0xFFFFEC00  }
0x4e: {  	[tilespmem:s23], [sflag:$0x1] =	stream.linear.gather [hbm4b:s14+s4], $0x28, $0x38;
	[tilespmem:$0x19D80] =	vst v63  }
0x4f: {  	s15 =	simm.s32 $0x50  }
0x50: {  	[tilespmem:s25], [sflag:$0x3] =	stream.indirect.gather [hbm4b:s1+s24], $0x80, s15, s24, $0xb8;
	[tilespmem:$0x19D80] =	vst v63  }
0x51: {  	s17 =	sadd.s32 $0xFFFFFD80, s16  }
0x52: {  	[tilespmem:s26], [sflag:$0x5] =	stream.linear.gather [hbm4b:s17+s4], $0x1400, $0x38;
	[tilespmem:$0x19D80] =	vst v63  }
0x53: {  	_ =	swait.ge [sflag:s5], $0x28  }
0x54: {  	[sflag:s5] =	ssyncset.done $0x0  }
0x55: {  	[sflag:s5] =	ssyncadd.s32 $0xFFFFFFD8  }
0x56: {  	_ =	swait.ge [sflag:s6], $0x1400  }
0x57: {  	[sflag:s6] =	ssyncset.done $0x0  }
0x58: {  	[sflag:s6] =	ssyncadd.s32 $0xFFFFEC00  }
0x59: {  	_ =	swait.ge [sflag:s7], $0x1400  }
0x5a: {  	[sflag:s7] =	ssyncset.done $0x0  }
0x5b: {  	[sflag:s7] =	ssyncadd.s32 $0xFFFFEC00  }
0x5c: {  	[spmem:s3] =	stream.indirect.scatter.add.f32 [tilespmem:s30], [sflag:$0x8], $0x80, s28, s24, $0xb8;
	[tilespmem:$0x19D80] =	vst v63  }
0x5d: {  	_ =	swait.ge [sflag:s8], $0x1400  }
0x5e: {  	[sflag:s8] =	ssyncset.done $0x0  }
0x5f: {  	s18 =	sadd.s32 $0x0, s19;
	[sflag:s8] =	ssyncadd.s32 $0xFFFFEC00  }
0x60: {  	[tilespmem:s28], [sflag:$0x2] =	stream.linear.gather [hbm4b:s18+s4], $0x28, $0x38;
	[tilespmem:$0x19D80] =	vst v63  }
0x61: {  	s11 =	simm.s32 $0xC8;
	s20 =	simm.s32 $0x78  }
0x62: {  	[tilespmem:s29], [sflag:$0x4] =	stream.indirect.gather [hbm4b:s1+s24], $0x80, s20, s24, $0xb8;
	[tilespmem:$0x19D80] =	vst v63  }
0x63: {  	s14 =	simm.s32 $0xA;
	s15 =	sadd.s32 $0x500, s16;
	s20 =	smov.u32 s16  }
.LBB2_2:
0x64: {  	[tilespmem:s30], [sflag:$0x6] =	stream.linear.gather [hbm4b:s20+s4], $0x1400, $0x38;
	[tilespmem:$0x19D80] =	vst v63  }
0x65: {  	s17 =	smov.u32 s14;
	s20 =	smov.u32 s15  }
0x66: {  	p1 =	sne.s32 s14, $0x258;
	s14 =	sadd.s32 $0xA, s14;
	_ =	swait.ge [sflag:s31], $0x28  }
0x67: {  	[sflag:s31] =	ssyncset.done $0x0  }
0x68: {  	[sflag:s31] =	ssyncadd.s32 $0xFFFFFFD8  }
0x69: {  	_ =	swait.ge [sflag:s22], $0x1400  }
0x6a: {  	[sflag:s22] =	ssyncset.done $0x0  }
0x6b: {  	[sflag:s22] =	ssyncadd.s32 $0xFFFFEC00  }
0x6c: {  	_ =	swait.ge [sflag:s2], $0x1400  }
0x6d: {  	[sflag:s2] =	ssyncset.done $0x0  }
0x6e: {  	[sflag:s2] =	ssyncadd.s32 $0xFFFFEC00  }
0x6f: {  	[spmem:s3] =	stream.indirect.scatter.add.f32 [tilespmem:s26], [sflag:$0x7], $0x80, s23, s24, $0xb8;
	[tilespmem:$0x19D80] =	vst v63  }
0x70: {  	_ =	swait.ge [sflag:s0], $0x1400  }
0x71: {  	[sflag:s0] =	ssyncset.done $0x0  }
0x72: {  	s18 =	sadd.s32 s17, s21;
	[sflag:s0] =	ssyncadd.s32 $0xFFFFEC00  }
0x73: {  	[tilespmem:s23], [sflag:$0x1] =	stream.linear.gather [hbm4b:s18+s4], $0x28, $0x38;
	[tilespmem:$0x19D80] =	vst v63  }
0x74: {  	s18 =	sadd.s32 $0xFFFFFFD8, s11  }
0x75: {  	[tilespmem:s25], [sflag:$0x3] =	stream.indirect.gather [hbm4b:s1+s24], $0x80, s18, s24, $0xb8;
	[tilespmem:$0x19D80] =	vst v63  }
0x76: {  	s18 =	sadd.s32 $0xFFFFFD80, s15  }
0x77: {  	[tilespmem:s26], [sflag:$0x5] =	stream.linear.gather [hbm4b:s18+s4], $0x1400, $0x38;
	[tilespmem:$0x19D80] =	vst v63  }
0x78: {  	_ =	swait.ge [sflag:s5], $0x28  }
0x79: {  	[sflag:s5] =	ssyncset.done $0x0  }
0x7a: {  	[sflag:s5] =	ssyncadd.s32 $0xFFFFFFD8  }
0x7b: {  	_ =	swait.ge [sflag:s6], $0x1400  }
0x7c: {  	[sflag:s6] =	ssyncset.done $0x0  }
0x7d: {  	[sflag:s6] =	ssyncadd.s32 $0xFFFFEC00  }
0x7e: {  	_ =	swait.ge [sflag:s7], $0x1400  }
0x7f: {  	[sflag:s7] =	ssyncset.done $0x0  }
0x80: {  	[sflag:s7] =	ssyncadd.s32 $0xFFFFEC00  }
0x81: {  	[spmem:s3] =	stream.indirect.scatter.add.f32 [tilespmem:s30], [sflag:$0x8], $0x80, s28, s24, $0xb8;
	[tilespmem:$0x19D80] =	vst v63  }
0x82: {  	_ =	swait.ge [sflag:s8], $0x1400  }
0x83: {  	[sflag:s8] =	ssyncset.done $0x0  }
.Ltmp0:
0x84: {  	s17 =	sadd.s32 s17, s19;
	[sflag:s8] =	ssyncadd.s32 $0xFFFFEC00;
	(pc) =	sbr.rel @p1 .LBB2_2-.Ltmp0, $4  }
0x85: {  	[tilespmem:s28], [sflag:$0x2] =	stream.linear.gather [hbm4b:s17+s4], $0x28, $0x38;
	[tilespmem:$0x19D80] =	vst v63  }
0x86: {  	_ = 	snop  }
0x87: {  	[tilespmem:s29], [sflag:$0x4] =	stream.indirect.gather [hbm4b:s1+s24], $0x80, s11, s24, $0xb8;
	[tilespmem:$0x19D80] =	vst v63  }
0x88: {  	s15 =	sadd.s32 $0x500, s15;
	s11 =	sadd.s32 $0x50, s11  }
0x89: {  	[tilespmem:s30], [sflag:$0x6] =	stream.linear.gather [hbm4b:s20+s4], $0x1400, $0x38;
	[tilespmem:$0x19D80] =	vst v63  }
0x8a: {  	_ =	swait.ge [sflag:s31], $0x28  }
0x8b: {  	[sflag:s31] =	ssyncset.done $0x0  }
0x8c: {  	[sflag:s31] =	ssyncadd.s32 $0xFFFFFFD8  }
0x8d: {  	_ =	swait.ge [sflag:s22], $0x1400  }
0x8e: {  	[sflag:s22] =	ssyncset.done $0x0  }
0x8f: {  	[sflag:s22] =	ssyncadd.s32 $0xFFFFEC00  }
0x90: {  	_ =	swait.ge [sflag:s2], $0x1400  }
0x91: {  	[sflag:s2] =	ssyncset.done $0x0  }
0x92: {  	[sflag:s2] =	ssyncadd.s32 $0xFFFFEC00  }
0x93: {  	[spmem:s3] =	stream.indirect.scatter.add.f32 [tilespmem:s26], [sflag:$0x7], $0x80, s23, s24, $0xb8;
	[tilespmem:$0x19D80] =	vst v63  }
0x94: {  	_ =	swait.ge [sflag:s0], $0x1400  }
0x95: {  	[sflag:s0] =	ssyncset.done $0x0  }
0x96: {  	s11 =	rddreg [dreg:$0x10];
	[sflag:s0] =	ssyncadd.s32 $0xFFFFEC00  }
0x97: {  	[tilespmem:s23], [sflag:$0x1] =	stream.linear.gather [hbm4b:s11+s4], $0x28, $0x38;
	[tilespmem:$0x19D80] =	vst v63  }
0x98: {  	s17 =	simm.s32 $0x1360  }
0x99: {  	[tilespmem:s25], [sflag:$0x3] =	stream.indirect.gather [hbm4b:s1+s24], $0x80, s17, s24, $0xb8;
	[tilespmem:$0x19D80] =	vst v63  }
0x9a: {  	s18 =	rddreg [dreg:$0x11]  }
0x9b: {  	[tilespmem:s26], [sflag:$0x5] =	stream.linear.gather [hbm4b:s18+s4], $0x1400, $0x38;
	[tilespmem:$0x19D80] =	vst v63  }
0x9c: {  	_ =	swait.ge [sflag:s5], $0x28  }
0x9d: {  	[sflag:s5] =	ssyncset.done $0x0  }
0x9e: {  	[sflag:s5] =	ssyncadd.s32 $0xFFFFFFD8  }
0x9f: {  	_ =	swait.ge [sflag:s6], $0x1400  }
0xa0: {  	[sflag:s6] =	ssyncset.done $0x0  }
0xa1: {  	[sflag:s6] =	ssyncadd.s32 $0xFFFFEC00  }
0xa2: {  	_ =	swait.ge [sflag:s7], $0x1400  }
0xa3: {  	[sflag:s7] =	ssyncset.done $0x0  }
0xa4: {  	[sflag:s7] =	ssyncadd.s32 $0xFFFFEC00  }
0xa5: {  	[spmem:s3] =	stream.indirect.scatter.add.f32 [tilespmem:s30], [sflag:$0x8], $0x80, s28, s24, $0xb8;
	[tilespmem:$0x19D80] =	vst v63  }
0xa6: {  	_ =	swait.ge [sflag:s8], $0x1400  }
0xa7: {  	[sflag:s8] =	ssyncset.done $0x0  }
0xa8: {  	[sflag:s8] =	ssyncadd.s32 $0xFFFFEC00  }
0xa9: {  	_ =	swait.ge [sflag:s31], $0x28  }
0xaa: {  	[sflag:s31] =	ssyncset.done $0x0  }
0xab: {  	[sflag:s31] =	ssyncadd.s32 $0xFFFFFFD8  }
0xac: {  	_ =	swait.ge [sflag:s22], $0x1400  }
0xad: {  	[sflag:s22] =	ssyncset.done $0x0  }
0xae: {  	[sflag:s22] =	ssyncadd.s32 $0xFFFFEC00  }
0xaf: {  	_ =	swait.ge [sflag:s2], $0x1400  }
0xb0: {  	[sflag:s2] =	ssyncset.done $0x0  }
0xb1: {  	[sflag:s2] =	ssyncadd.s32 $0xFFFFEC00  }
0xb2: {  	[spmem:s3] =	stream.indirect.scatter.add.f32 [tilespmem:s26], [sflag:$0x7], $0x80, s23, s24, $0xb8;
	[tilespmem:$0x19D80] =	vst v63  }
0xb3: {  	_ =	swait.ge [sflag:s0], $0x1400  }
0xb4: {  	[sflag:s0] =	ssyncset.done $0x0  }
0xb5: {  	[sflag:s0] =	ssyncadd.s32 $0xFFFFEC00  }
0xb6: {  	[bflag:$0x0] =	sbarrier.arrive $0xFFFF  }
0xb7: {  	s11 =	simm.s32 @p0 $0x1FC9;
	s14 =	rddreg [dreg:$0xe]  }
0xb8: {  	[hbm:s14], [sflag:s11] =	dma.local @p0 [spmem:s10], $0x1900  }
0xb9: {  	s10 =	simm.s32 @p0 $0x9  }
0xba: {  	_ =	swait.ge @p0 [sflag:s10], $0x1900  }
0xbb: {  	[sflag:s10] =	ssyncset.done @p0 $0x0  }
0xbc: {  	s11 =	rddreg [dreg:$0xd];
	[sflag:s10] =	ssyncadd.s32 @p0 $0xFFFFE700;
	s10 =	sor.u32 @!p0 $0x1C09, s12  }
0xbd: {  	[hbm:s11], [sflag:s10] =	dma.local @!p0 [spmem:s13], $0x2800  }
0xbe: {  	s10 =	simm.s32 @!p0 $0x9  }
0xbf: {  	_ =	swait.ge @!p0 [sflag:s10], $0x2800  }
0xc0: {  	s9 =	sadd.s32 $0x1, s9;
	s20 =	rddreg [dreg:$0xf]  }
0xc1: {  	p1 =	sne.s32 s9, s20  }
.Ltmp1:
0xc2: {  	_ = 	snop;
	(pc) =	sbr.rel @p1 .LBB2_1-.Ltmp1, $3  }
0xc3: {  	_ =	sdelay $0x1  }
0xc4: {  	[sflag:s10] =	ssyncset.done @!p0 $0x0  }
0xc5: {  	[sflag:s10] =	ssyncadd.s32 @!p0 $0xFFFFD800  }
0xc6: {  	_ =	sfence.sel $0x180000  }
0xc7: {  	[bflag:$0x0] =	sbarrier.arrive $0xFFFF  }
0xc8: {  	_ =	strace $0x9000004A  }
0xc9: {  	s0 =	stileid.u32;
	[bflag:$0x2] =	sbarrier.arrive $0xFFFF  }
0xca: {  	p0 =	sne.s32 s0, $0x0;
	s0 =	rddreg [dreg:$0x3]  }
0xcb: {  	s0 =	sadd.s32 @!p0 $0x100000, s0  }
0xcc: {  	[sflag:s0] =	ssyncadd.tile.s32 @!p0 $0x1;
	_ =	shalt  }
.Lfunc_end2:
_tile_overlayer_lowered:
.L_overlay_start_2:
0xcd: {  	(tag) =	ssettag $0x2  }
0xce: {  	s0 =	rddreg [dreg:$0x0];
	s2 =	stileid.u32  }
0xcf: {  	s1 =	rddreg [dreg:$0x1];
	p0 =	sne.s32 s2, $0x0  }
0xd0: {  	s3 =	rddreg [dreg:$0x2];
	[bflag:$0x3] =	sbarrier.arrive $0xFFFF;
	s2 =	simm.s32 @!p0 $0x1C09  }
0xd1: {  	[timem:s3], [sflag:s2] =	dma.local @!p0 [hbm:s0], s1  }
0xd2: {  	s0 =	simm.s32 @!p0 $0x9  }
0xd3: {  	_ =	swait.ge @!p0 [sflag:s0], s1  }
0xd4: {  	s1 =	ssub.s32 @!p0 $0x0, s1;
	[sflag:s0] =	ssyncset.done @!p0 $0x0  }
0xd5: {  	[sflag:s0] =	ssyncadd.s32 @!p0 s1  }
0xd6: {  	[bflag:$0x3] =	sbarrier.arrive $0xFFFF  }
0xd7: {  	_ =	shalt  }

// kernel: kernel.7.cloned.1.call-start
scs
__scs_entry_jumppad:
0x0: {  	(pc) =	sbr.rel $0x88, $3  }
0x1: {  	(tag) =	ssettag $0x0;
	lr =	simm.s32 $0x1  }
0x2: {  	[smem:$0x3F98] =	sst lr;
	_ =	strace $0xD0000000  }
0x3: {  	_ = 	snop  }
0x4: {  	_ = 	snop  }
0x5: {  	_ = 	snop  }
0x6: {  	_ = 	snop  }
0x7: {  	_ = 	snop  }
__scs_overlays_trampoline_lowered:
0x8: {  	[smem:$0x3FA7] =	sst s0  }
0x9: {  	[smem:$0x3FA8] =	sst s1  }
0xa: {  	[smem:$0x3FA9] =	sst s2  }
0xb: {  	[smem:$0x3FAA] =	sst s3  }
0xc: {  	[smem:$0x3FAB] =	sst s4  }
0xd: {  	[smem:$0x3FAC] =	sst s5  }
0xe: {  	[smem:$0x3FAD] =	sst s6  }
0xf: {  	[smem:$0x3FAE] =	sst s7  }
0x10: {  	[smem:$0x3FAF] =	sst s8  }
0x11: {  	[smem:$0x3FB0] =	sst s9;
	s0 =	simm.s32 @!p0 $0x0  }
0x12: {  	s1 =	sld [smem:$0x3F96];
	s0 =	simm.s32 @p0 $0x1  }
0x13: {  	[smem:$0x3FB1] =	sst s0;
	s0 =	simm.s32 @!p1 $0x0  }
0x14: {  	s2 =	sld [smem:$0x3F95];
	s0 =	simm.s32 @p1 $0x1  }
0x15: {  	[smem:$0x3FB2] =	sst s0;
	s0 =	simm.s32 @!p2 $0x0  }
0x16: {  	s3 =	sld [smem:$0x3FDB];
	s0 =	simm.s32 @p2 $0x1  }
0x17: {  	s4 =	simm.s32 $0x1BF5;
	[smem:$0x3FB4] =	sst s0  }
0x18: {  	s0 =	sld [smem:$0x3F97];
	_ =	swait.ge [sflag:s4], $0x0  }
0x19: {  	s7 =	sld [smem:$0x3F98]  }
0x1a: {  	s8 =	sadd.s32 $0xFFFFE003, lr  }
0x1b: {  	s9 =	sadd.s32 $0xFFFFFEF7, lr;
	s5 =	simm.s32 $0xFFFFFFFF;
	p2 =	slt.u32 s8, $0xFFFFF086  }
0x1c: {  	p1 =	slt.u32 s9, $0xF7A;
	s5 =	simm.s32 @!p2 $0x0  }
0x1d: {  	s5 =	simm.s32 @p1 $0x1;
	p0 =	seq.s32 s7, s2  }
0x1e: {  	s7 =	smul.u32 @!p0 $0xF7A, s2;
	p2 =	seq.s32 @!p0 s5, $0x0  }
0x1f: {  	s9 =	smul.u32 $0xF7A, s1;
	s8 =	simm.s32 @!p0 $0x1BF5;
	p2 =	por !p2, p0  }
0x20: {  	[sflag:s8] =	ssyncset.s32 @!p0 $0xFFFFF086;
	s6 =	sadd.s32 @!p0 s3, s7;
	s7 =	simm.s32 @!p0 $0x108  }
0x21: {  	s3 =	sadd.s32 s3, s9;
	s6 =	sadd.s32 @!p0 $0x88, s6;
	s7 =	simm.s32 @p2 $0x1082  }
0x22: {  	[simem:s7], [sflag:s8] =	dma.local @!p0 [hbm:s6], $0xF7A  }
0x23: {  	s9 =	sor.u32 $0xD0000000, s2;
	s6 =	simm.s32 $0x108;
	_ =	swait.ge @!p0 [sflag:s8], $0x0  }
0x24: {  	s3 =	sadd.s32 $0x88, s3;
	s6 =	simm.s32 @!p1 $0x1082;
	[sflag:s4] =	ssyncset.s32 $0xFFFFF086  }
0x25: {  	[simem:s6], [sflag:s4] =	dma.local [hbm:s3], $0xF7A  }
0x26: {  	[smem:$0x3F98] =	sst s1;
	(tag) =	ssettag s2;
	_ =	strace s9  }
0x27: {  	s1 =	sld [smem:$0x3FA8]  }
0x28: {  	s2 =	sld [smem:$0x3FA9]  }
0x29: {  	s4 =	sld [smem:$0x3FAB]  }
0x2a: {  	p0 =	seq.s32 s5, $0x0;
	s5 =	sld [smem:$0x3FAC]  }
0x2b: {  	s6 =	sld [smem:$0x3FAD]  }
0x2c: {  	s7 =	sld [smem:$0x3FAE]  }
0x2d: {  	s3 =	simm.s32 $0x108;
	s8 =	sld [smem:$0x3FAF]  }
0x2e: {  	s3 =	simm.s32 @!p0 $0x1082;
	s9 =	sld [smem:$0x3FB0]  }
0x2f: {  	lr =	sadd.s32 s0, s3;
	s0 =	sld [smem:$0x3FA7]  }
0x30: {  	s3 =	sld [smem:$0x3FAA]  }
0x31: {  	[smem:$0x3FB3] =	sst s10  }
0x32: {  	s10 =	sld [smem:$0x3FB1];
	_ =	sdelay $0x3  }
0x33: {  	p0 =	seq.s32 s10, $0x1;
	s10 =	sld [smem:$0x3FB3];
	_ =	sdelay $0x3  }
0x34: {  	[smem:$0x3FB3] =	sst s10  }
0x35: {  	s10 =	sld [smem:$0x3FB2];
	_ =	sdelay $0x3  }
0x36: {  	p1 =	seq.s32 s10, $0x1;
	s10 =	sld [smem:$0x3FB3];
	_ =	sdelay $0x3  }
0x37: {  	[smem:$0x3FB3] =	sst s10  }
0x38: {  	s10 =	sld [smem:$0x3FB4]  }
0x39: {  	_ = 	snop;
	(pc) =	sbr.ind lr, $3  }
0x3a: {  	_ = 	snop  }
0x3b: {  	_ = 	snop  }
0x3c: {  	p2 =	seq.s32 s10, $0x1;
	s10 =	sld [smem:$0x3FB3]  }
0x3d: {  	_ =	shalt  }
0x3e: {  	_ =	shalt  }
0x3f: {  	_ =	shalt  }
0x40: {  	_ =	shalt  }
0x41: {  	_ =	shalt  }
0x42: {  	_ =	shalt  }
0x43: {  	_ =	shalt  }
0x44: {  	_ =	shalt  }
0x45: {  	_ =	shalt  }
0x46: {  	_ =	shalt  }
0x47: {  	_ =	shalt  }
0x48: {  	_ =	shalt  }
0x49: {  	_ =	shalt  }
0x4a: {  	_ =	shalt  }
0x4b: {  	_ =	shalt  }
0x4c: {  	_ =	shalt  }
0x4d: {  	_ =	shalt  }
0x4e: {  	_ =	shalt  }
0x4f: {  	_ =	shalt  }
0x50: {  	_ =	shalt  }
0x51: {  	_ =	shalt  }
0x52: {  	_ =	shalt  }
0x53: {  	_ =	shalt  }
0x54: {  	_ =	shalt  }
0x55: {  	_ =	shalt  }
0x56: {  	_ =	shalt  }
0x57: {  	_ =	shalt  }
0x58: {  	_ =	shalt  }
0x59: {  	_ =	shalt  }
0x5a: {  	_ =	shalt  }
0x5b: {  	_ =	shalt  }
0x5c: {  	_ =	shalt  }
0x5d: {  	_ =	shalt  }
0x5e: {  	_ =	shalt  }
0x5f: {  	_ =	shalt  }
0x60: {  	_ =	shalt  }
0x61: {  	_ =	shalt  }
0x62: {  	_ =	shalt  }
0x63: {  	_ =	shalt  }
0x64: {  	_ =	shalt  }
0x65: {  	_ =	shalt  }
0x66: {  	_ =	shalt  }
0x67: {  	_ =	shalt  }
0x68: {  	_ =	shalt  }
0x69: {  	_ =	shalt  }
0x6a: {  	_ =	shalt  }
0x6b: {  	_ =	shalt  }
0x6c: {  	_ =	shalt  }
0x6d: {  	_ =	shalt  }
0x6e: {  	_ =	shalt  }
0x6f: {  	_ =	shalt  }
0x70: {  	_ =	shalt  }
0x71: {  	_ =	shalt  }
0x72: {  	_ =	shalt  }
0x73: {  	_ =	shalt  }
0x74: {  	_ =	shalt  }
0x75: {  	_ =	shalt  }
0x76: {  	_ =	shalt  }
0x77: {  	_ =	shalt  }
0x78: {  	_ =	shalt  }
0x79: {  	_ =	shalt  }
0x7a: {  	_ =	shalt  }
0x7b: {  	_ =	shalt  }
0x7c: {  	_ =	shalt  }
0x7d: {  	_ =	shalt  }
0x7e: {  	_ =	shalt  }
0x7f: {  	_ =	shalt  }
0x80: {  	_ =	shalt  }
0x81: {  	_ =	shalt  }
0x82: {  	_ =	shalt  }
0x83: {  	_ =	shalt  }
0x84: {  	_ =	shalt  }
0x85: {  	_ =	shalt  }
0x86: {  	_ =	shalt  }
0x87: {  	_ =	shalt  }
.Lfunc_end0:
.L_simem_size_0:
called_computation_lowered:
.L_overlay_start_0:
0x88: {  	s2 =	sld [smem:$0x3FD9]  }
0x89: {  	s3 =	sld [smem:$0x3FFE];
	_ =	sdelay $0x1  }
0x8a: {  	s1 =	srdreg.scid  }
0x8b: {  	s0 =	sand.u32 $0x1, s1  }
0x8c: {  	s17 =	sshll.u32 s0, $0xA;
	s2 =	sadd.s32 s3, s2  }
0x8d: {  	s2 =	sadd.s32 s2, s17  }
0x8e: {  	[smem:$0x3FBF] =	sst s2  }
0x8f: {  	_ = 	snop  }
0x90: {  	s2 =	sld [smem:$0x3FD0];
	(tm) =	ssettm $0x1  }
0x91: {  	s18 =	sld [smem:$0x3FFB];
	_ =	sdelay $0x3  }
0x92: {  	_ =	strace s18  }
0x93: {  	s3 =	sld [smem:$0x3FFC];
	_ =	sdelay $0x3  }
0x94: {  	_ =	strace s3  }
0x95: {  	s3 =	sld [smem:$0x3FFD];
	_ =	sdelay $0x3  }
0x96: {  	_ =	strace s3  }
0x97: {  	_ =	strace $0x8FFFFFFF  }
0x98: {  	s19 =	sld [smem:$0x3FDB];
	_ =	sdelay $0x1  }
0x99: {  	s4 =	simm.s32 $_scs_section_size  }
0x9a: {  	s5 =	simm.s32 $_size__tile_overlayer_lowered;
	s6 =	simm.s32 $_tile_overlayer_lowered  }
0x9b: {  	s22 =	simm.s32 $0x1BFF;
	s21 =	sshll.u32 s6, $0x1;
	s3 =	sadd.s32 s4, s19  }
0x9c: {  	s7 =	simm.s32 $0x0;
	s20 =	sshll.u32 s5, $0x1;
	s5 =	sadd.s32 s21, s3  }
0x9d: {  	[timem:s7], [sflag:s22] =	dma.local [hbm:s5], s20  }
0x9e: {  	_ =	swait.ge [sflag:s22], s20  }
0x9f: {  	s4 =	ssub.s32 $0x0, s20;
	[sflag:s22] =	ssyncset.done $0x0  }
0xa0: {  	[sflag:s22] =	ssyncadd.s32 s4;
	_ =	sdelay $0x1  }
0xa1: {  	s23 =	simm.s32 $0x1B8B  }
0xa2: {  	_ =	swait.ge [sflag:s23], $0x1  }
0xa3: {  	[sflag:s23] =	ssyncset.done $0x0  }
0xa4: {  	s25 =	simm.s32 $0x1B8E;
	s24 =	sld [smem:$0x3FFE];
	[sflag:s23] =	ssyncadd.s32 $0xFFFFFFFF  }
0xa5: {  	s26 =	simm.s32 $execute0_lowered;
	[smem:$0x3FD2] =	sst s25  }
0xa6: {  	s5 =	sshll.u32 s26, $0x1;
	_ =	strace $0x80000046;
	[dreg:$0x1] =	wrdreg $0xFFFFFFFF  }
0xa7: {  	s28 =	simm.s32 $_size_execute0_lowered;
	s3 =	sadd.s32 s3, s5;
	[dreg:$0x0] =	wrdreg $0x0  }
0xa8: {  	s5 =	sshll.u32 s28, $0x1;
	[dreg:$0x2] =	wrdreg s3  }
0xa9: {  	[dreg:$0x3] =	wrdreg s5  }
0xaa: {  	[dreg:$0x4] =	wrdreg $0xC0  }
0xab: {  	_ =	task [dreg:s7], $0x5FFFF  }
0xac: {  	[dreg:$0x1] =	wrdreg $0xFFFFFFFF  }
0xad: {  	[dreg:$0x0] =	wrdreg $0x60  }
0xae: {  	[dreg:$0x2] =	wrdreg s2  }
0xaf: {  	[dreg:$0x3] =	wrdreg s24  }
0xb0: {  	[dreg:$0x4] =	wrdreg $0x65000  }
0xb1: {  	[dreg:$0x5] =	wrdreg $0x9  }
0xb2: {  	_ =	task.clear_ibuf [dreg:s7], $0x6FFFF;
	_ =	strace $0x90000046  }
0xb3: {  	s29 =	simm.s32 $0x9;
	_ =	strace $0x80000048  }
0xb4: {  	_ =	swait.ge [sflag:s29], $0x1  }
0xb5: {  	[sflag:s29] =	ssyncadd.s32 $0xFFFFFFFF  }
0xb6: {  	_ =	strace $0x90000048  }
0xb7: {  	_ =	sfence  }
0xb8: {  	s30 =	sld [smem:$0x0];
	_ =	sdelay $0x2  }
0xb9: {  	s31 =	sshll.u32 s1, $0xD;
	s1 =	sshrl.u32 s1, $0x2  }
0xba: {  	s3 =	sand.u32 $0x4000, s31;
	s1 =	sadd.s32 s1, s30  }
0xbb: {  	s0 =	sor.u32 s3, s0;
	s1 =	sshll.u32 s1, $0x11  }
0xbc: {  	s0 =	sor.u32 s1, s0  }
0xbd: {  	s0 =	sadd.s32 $0x8F2B, s0  }
0xbe: {  	[sflag:s0] =	ssyncadd.remote.s32 $0x1  }
0xbf: {  	_ =	sfence.sel $0xFFFF  }
0xc0: {  	[dreg:$0x0] =	wrdreg $0xFFFFFFFF;
	(pc) =	sbr.abs _section_cstart, $3  }
0xc1: {  	[dreg:$0x1] =	wrdreg $0xFFFFFFFF  }
0xc2: {  	_ =	task.clear_ibuf [dreg:s7], $0x2FFFF;
	_ =	strace $0x9FFFFFFF  }
0xc3: {  	(tm) =	ssettm $0x7FFFFFFF  }
tec
execute0_lowered:
.L_overlay_start_1:
0x0: {  	(tag) =	ssettag $0x1  }
0x1: {  	s1 =	rddreg [dreg:$0x0]  }
0x2: {  	s0 =	srdreg.scid;
	s2 =	rddreg [dreg:$0x1]  }
0x3: {  	s17 =	stileid.u32;
	s3 =	rddreg [dreg:$0x2]  }
0x4: {  	s28 =	simm.s32 $0x1480;
	s29 =	simm.s32 $0x2900;
	s30 =	simm.s32 $0x5100  }
0x5: {  	s31 =	simm.s32 $0x1;
	s0 =	sand.u32 $0x1, s0;
	s12 =	smul.u32 $0x14000, s17  }
0x6: {  	s10 =	sadd.s32 $0x15400, s2;
	s5 =	sadd.s32 $0x1800, s2;
	s14 =	smul.u32 $0x50000, s17  }
0x7: {  	s4 =	sshll.u32 s17, $0x1;
	s15 =	sadd.s32 $0x286400, s2;
	s9 =	smul.u32 $0x138800, s0  }
0x8: {  	s23 =	sadd.s32 $0x12C000, s3;
	s6 =	sor.u32 s0, s4;
	s18 =	smul.u32 $0x1388, s0  }
0x9: {  	s4 =	simm.s32 $0x0;
	s13 =	ssub.s32 $0x2, s0;
	s0 =	smul.u32 $0x13880, s0  }
0xa: {  	p0 =	seq.s32 s17, $0xF;
	s7 =	smul.u32 $0x1388, s6;
	[smem:$0x7FF] =	sst s4  }
0xb: {  	s16 =	sshrl.u32 s13, $0x1;
	s14 =	sshrl.u32 s14, $0x2;
	s6 =	smul.u32 $0x13880, s6  }
0xc: {  	_ =	strace $0x80000047;
	s13 =	ssub.s32 s13, s16;
	s12 =	sadd.s32 s12, s9  }
0xd: {  	s21 =	sadd.s32 s14, s3;
	[dreg:$0x8] =	wrdreg s23;
	s9 =	sshrl.u32 s9, $0x3  }
0xe: {  	s8 =	sshrl.u32 s7, $0x3;
	[dreg:$0x6] =	wrdreg s21;
	s22 =	sshrl.u32 s12, $0x3  }
0xf: {  	s9 =	sadd.s32 $0x25800, s9;
	s24 =	sadd.s32 $0x28, s7;
	s6 =	sadd.s32 s10, s6  }
0x10: {  	s16 =	sadd.s32 $0x1360, s7;
	s19 =	smax.u32 s13, $0x1;
	s21 =	smul.u32 $0x27100, s17  }
0x11: {  	s7 =	simm.s32 $0x4;
	s11 =	sadd.s32 s8, s2;
	[dreg:$0xb] =	wrdreg s6  }
0x12: {  	s2 =	sadd.s32 $0x2D4600, s2;
	s12 =	sadd.s32 s15, s22;
	[dreg:$0x10] =	wrdreg s19  }
0x13: {  	s25 =	sadd.s32 s15, s9;
	s8 =	sadd.s32 s5, s8;
	[dreg:$0x7] =	wrdreg s12  }
0x14: {  	s26 =	sshrl.u32 s24, $0x3;
	s15 =	smul.u32 $0x2710, s17;
	[dreg:$0x9] =	wrdreg s25  }
0x15: {  	s20 =	sshrl.u32 s16, $0x3;
	s11 =	sadd.s32 $0xB600, s11;
	[dreg:$0xa] =	wrdreg s8  }
0x16: {  	s8 =	sadd.s32 s5, s26;
	s12 =	sshll.u32 s24, $0x4;
	[dreg:$0x5] =	wrdreg s11  }
0x17: {  	s14 =	sadd.s32 s2, s22;
	s2 =	sadd.s32 s2, s9;
	[dreg:$0xc] =	wrdreg s8  }
0x18: {  	s22 =	sadd.s32 s21, s10;
	s9 =	simm.s32 $0x8;
	[dreg:$0xe] =	wrdreg s14  }
0x19: {  	s6 =	sadd.s32 s10, s12;
	[dreg:$0xf] =	wrdreg s2;
	s8 =	sadd.s32 s5, s20  }
0x1a: {  	s2 =	sshll.u32 s16, $0x4;
	s0 =	sadd.s32 s0, s22;
	[dreg:$0xd] =	wrdreg s6  }
0x1b: {  	s22 =	simm.s32 $0x3;
	[dreg:$0x11] =	wrdreg s8;
	s6 =	sadd.s32 s18, s15  }
0x1c: {  	s2 =	sadd.s32 s10, s2;
	[dreg:$0x4] =	wrdreg s0;
	s0 =	simm.s32 $0x7  }
0x1d: {  	s8 =	simm.s32 $0x6;
	s10 =	simm.s32 $0x0;
	s23 =	sadd.s32 $0x78, s6  }
0x1e: {  	[dreg:$0x12] =	wrdreg s2;
	s26 =	sadd.s32 $0x50, s6;
	s2 =	simm.s32 $0x5  }
0x1f: {  	s6 =	simm.s32 $0x2;
	s24 =	sshrl.u32 s23, $0x3;
	[dreg:$0x14] =	wrdreg s26  }
0x20: {  	s23 =	simm.s32 $0x1400;
	s26 =	simm.s32 $0x3D00;
	s25 =	sadd.s32 s24, s5  }
0x21: {  	s24 =	simm.s32 $0x28;
	[dreg:$0x13] =	wrdreg s25;
	s25 =	simm.s32 $0x1500  }
.LBB2_1:
0x22: {  	s11 =	rddreg [dreg:$0x5]  }
0x23: {  	[tilespmem:s4], [sflag:$0x3] =	stream.linear.gather [hbm4b:s11+s4], $0x1388, $0x38;
	[tilespmem:$0x19D80] =	vst v63  }
0x24: {  	s11 =	rddreg [dreg:$0x8]  }
0x25: {  	s12 =	simm.s32 @p0 $0x1FC1;
	s13 =	rddreg [dreg:$0x9];
	s11 =	sshrl.u32 @p0 s11, $0x3  }
0x26: {  	[spmem:s11], [sflag:s12] =	dma.local @p0 [hbm:s13], $0x1900  }
0x27: {  	s13 =	simm.s32 @p0 $0x1  }
0x28: {  	_ =	swait.ge @p0 [sflag:s13], $0x1900  }
0x29: {  	s12 =	stileid.u32;
	[sflag:s13] =	ssyncset.done @p0 $0x0  }
0x2a: {  	s12 =	sshll.u32 @!p0 s12, $0x6;
	[sflag:s13] =	ssyncadd.s32 @p0 $0xFFFFE700;
	s13 =	rddreg [dreg:$0x6]  }
0x2b: {  	s14 =	sor.u32 @!p0 $0x1C01, s12;
	s15 =	rddreg [dreg:$0x7];
	s13 =	sshrl.u32 @!p0 s13, $0x3  }
0x2c: {  	[spmem:s13], [sflag:s14] =	dma.local @!p0 [hbm:s15], $0x2800  }
0x2d: {  	s14 =	simm.s32 @!p0 $0x1  }
0x2e: {  	_ =	swait.ge @!p0 [sflag:s14], $0x2800  }
0x2f: {  	[sflag:s14] =	ssyncset.done @!p0 $0x0  }
0x30: {  	[sflag:s14] =	ssyncadd.s32 @!p0 $0xFFFFD800  }
0x31: {  	_ =	swait.ge [sflag:s22], $0x1388  }
0x32: {  	[sflag:s22] =	ssyncset.done $0x0  }
0x33: {  	[sflag:s22] =	ssyncadd.s32 $0xFFFFEC78  }
0x34: {  	[bflag:$0x0] =	sbarrier.arrive $0xFFFF  }
0x35: {  	s20 =	rddreg [dreg:$0xa]  }
0x36: {  	[tilespmem:s23], [sflag:$0x1] =	stream.linear.gather [hbm4b:s20+s4], $0x28, $0x38;
	[tilespmem:$0x19D80] =	vst v63  }
0x37: {  	_ = 	snop  }
0x38: {  	[tilespmem:s25], [sflag:$0x3] =	stream.indirect.gather [hbm4b:s1+s24], $0x80, s4, s24, $0xb8;
	[tilespmem:$0x19D80] =	vst v63  }
0x39: {  	s21 =	rddreg [dreg:$0xb]  }
0x3a: {  	[tilespmem:s26], [sflag:$0x5] =	stream.linear.gather [hbm4b:s21+s4], $0x1400, $0x38;
	[tilespmem:$0x19D80] =	vst v63  }
0x3b: {  	s15 =	rddreg [dreg:$0xc]  }
0x3c: {  	[tilespmem:s28], [sflag:$0x2] =	stream.linear.gather [hbm4b:s15+s4], $0x28, $0x38;
	[tilespmem:$0x19D80] =	vst v63  }
0x3d: {  	_ = 	snop  }
0x3e: {  	[tilespmem:s29], [sflag:$0x4] =	stream.indirect.gather [hbm4b:s1+s24], $0x80, s24, s24, $0xb8;
	[tilespmem:$0x19D80] =	vst v63  }
0x3f: {  	s16 =	rddreg [dreg:$0xd]  }
0x40: {  	[tilespmem:s30], [sflag:$0x6] =	stream.linear.gather [hbm4b:s16+s4], $0x1400, $0x38;
	[tilespmem:$0x19D80] =	vst v63  }
0x41: {  	_ =	swait.ge [sflag:s31], $0x28  }
0x42: {  	[sflag:s31] =	ssyncset.done $0x0  }
0x43: {  	[sflag:s31] =	ssyncadd.s32 $0xFFFFFFD8  }
0x44: {  	_ =	swait.ge [sflag:s22], $0x1400  }
0x45: {  	[sflag:s22] =	ssyncset.done $0x0  }
0x46: {  	[sflag:s22] =	ssyncadd.s32 $0xFFFFEC00  }
0x47: {  	_ =	swait.ge [sflag:s2], $0x1400  }
0x48: {  	[sflag:s2] =	ssyncset.done $0x0  }
0x49: {  	[sflag:s2] =	ssyncadd.s32 $0xFFFFEC00  }
0x4a: {  	[spmem:s3] =	stream.indirect.scatter.add.f32 [tilespmem:s26], [sflag:$0x7], $0x80, s23, s24, $0xb8;
	[tilespmem:$0x19D80] =	vst v63  }
0x4b: {  	_ =	swait.ge [sflag:s0], $0x1400  }
0x4c: {  	s21 =	rddreg [dreg:$0x14]  }
0x4d: {  	[sflag:s0] =	ssyncset.done $0x0;
	s17 =	sshrl.u32 s21, $0x3  }
0x4e: {  	s18 =	rddreg [dreg:$0x4];
	[sflag:s0] =	ssyncadd.s32 $0xFFFFEC00;
	s14 =	sadd.s32 s5, s17  }
0x4f: {  	[tilespmem:s23], [sflag:$0x1] =	stream.linear.gather [hbm4b:s14+s4], $0x28, $0x38;
	[tilespmem:$0x19D80] =	vst v63  }
0x50: {  	s19 =	simm.s32 $0x50;
	s18 =	sadd.s32 $0x0, s18  }
0x51: {  	[tilespmem:s25], [sflag:$0x3] =	stream.indirect.gather [hbm4b:s1+s24], $0x80, s19, s24, $0xb8;
	[tilespmem:$0x19D80] =	vst v63  }
0x52: {  	s20 =	sadd.s32 $0x500, s18  }
0x53: {  	[tilespmem:s26], [sflag:$0x5] =	stream.linear.gather [hbm4b:s20+s4], $0x1400, $0x38;
	[tilespmem:$0x19D80] =	vst v63  }
0x54: {  	_ =	swait.ge [sflag:s6], $0x28  }
0x55: {  	[sflag:s6] =	ssyncset.done $0x0  }
0x56: {  	[sflag:s6] =	ssyncadd.s32 $0xFFFFFFD8  }
0x57: {  	_ =	swait.ge [sflag:s7], $0x1400  }
0x58: {  	[sflag:s7] =	ssyncset.done $0x0  }
0x59: {  	[sflag:s7] =	ssyncadd.s32 $0xFFFFEC00  }
0x5a: {  	_ =	swait.ge [sflag:s8], $0x1400  }
0x5b: {  	[sflag:s8] =	ssyncset.done $0x0  }
0x5c: {  	[sflag:s8] =	ssyncadd.s32 $0xFFFFEC00  }
0x5d: {  	[spmem:s3] =	stream.indirect.scatter.add.f32 [tilespmem:s30], [sflag:$0x8], $0x80, s28, s24, $0xb8;
	[tilespmem:$0x19D80] =	vst v63  }
0x5e: {  	_ =	swait.ge [sflag:s9], $0x1400  }
0x5f: {  	[sflag:s9] =	ssyncset.done $0x0  }
0x60: {  	s20 =	rddreg [dreg:$0x13];
	[sflag:s9] =	ssyncadd.s32 $0xFFFFEC00  }
0x61: {  	[tilespmem:s28], [sflag:$0x2] =	stream.linear.gather [hbm4b:s20+s4], $0x28, $0x38;
	[tilespmem:$0x19D80] =	vst v63  }
0x62: {  	s15 =	simm.s32 $0x500;
	s18 =	sadd.s32 $0x780, s18;
	s14 =	simm.s32 $0x78  }
0x63: {  	[tilespmem:s29], [sflag:$0x4] =	stream.indirect.gather [hbm4b:s1+s24], $0x80, s14, s24, $0xb8;
	[tilespmem:$0x19D80] =	vst v63  }
.LBB2_2:
0x64: {  	[tilespmem:s30], [sflag:$0x6] =	stream.linear.gather [hbm4b:s18+s4], $0x1400, $0x38;
	[tilespmem:$0x19D80] =	vst v63  }
0x65: {  	_ =	swait.ge [sflag:s31], $0x28  }
0x66: {  	[sflag:s31] =	ssyncset.done $0x0  }
0x67: {  	[sflag:s31] =	ssyncadd.s32 $0xFFFFFFD8  }
0x68: {  	_ =	swait.ge [sflag:s22], $0x1400  }
0x69: {  	[sflag:s22] =	ssyncset.done $0x0  }
0x6a: {  	[sflag:s22] =	ssyncadd.s32 $0xFFFFEC00  }
0x6b: {  	_ =	swait.ge [sflag:s2], $0x1400  }
0x6c: {  	[sflag:s2] =	ssyncset.done $0x0  }
0x6d: {  	[sflag:s2] =	ssyncadd.s32 $0xFFFFEC00  }
0x6e: {  	[spmem:s3] =	stream.indirect.scatter.add.f32 [tilespmem:s26], [sflag:$0x7], $0x80, s23, s24, $0xb8;
	[tilespmem:$0x19D80] =	vst v63  }
0x6f: {  	s14 =	sadd.s32 $0x50, s14;
	s21 =	sadd.s32 $0x50, s21;
	_ =	swait.ge [sflag:s0], $0x1400  }
0x70: {  	s19 =	smov.u32 s15;
	s17 =	sshrl.u32 s21, $0x3;
	[sflag:s0] =	ssyncset.done $0x0  }
0x71: {  	s18 =	sadd.s32 s5, s17;
	s16 =	rddreg [dreg:$0x4];
	[sflag:s0] =	ssyncadd.s32 $0xFFFFEC00  }
0x72: {  	[tilespmem:s23], [sflag:$0x1] =	stream.linear.gather [hbm4b:s18+s4], $0x28, $0x38;
	[tilespmem:$0x19D80] =	vst v63  }
0x73: {  	s17 =	sadd.s32 $0xFFFFFFD8, s14;
	s16 =	sadd.s32 s19, s16  }
0x74: {  	[tilespmem:s25], [sflag:$0x3] =	stream.indirect.gather [hbm4b:s1+s24], $0x80, s17, s24, $0xb8;
	[tilespmem:$0x19D80] =	vst v63  }
0x75: {  	s19 =	sadd.s32 $0x500, s16  }
0x76: {  	[tilespmem:s26], [sflag:$0x5] =	stream.linear.gather [hbm4b:s19+s4], $0x1400, $0x38;
	[tilespmem:$0x19D80] =	vst v63  }
0x77: {  	_ =	swait.ge [sflag:s6], $0x28  }
0x78: {  	[sflag:s6] =	ssyncset.done $0x0  }
0x79: {  	[sflag:s6] =	ssyncadd.s32 $0xFFFFFFD8  }
0x7a: {  	_ =	swait.ge [sflag:s7], $0x1400  }
0x7b: {  	[sflag:s7] =	ssyncset.done $0x0  }
0x7c: {  	[sflag:s7] =	ssyncadd.s32 $0xFFFFEC00  }
0x7d: {  	_ =	swait.ge [sflag:s8], $0x1400  }
0x7e: {  	[sflag:s8] =	ssyncset.done $0x0  }
0x7f: {  	[sflag:s8] =	ssyncadd.s32 $0xFFFFEC00  }
0x80: {  	[spmem:s3] =	stream.indirect.scatter.add.f32 [tilespmem:s30], [sflag:$0x8], $0x80, s28, s24, $0xb8;
	[tilespmem:$0x19D80] =	vst v63  }
0x81: {  	p1 =	sne.s32 s15, $0x12C00;
	_ =	swait.ge [sflag:s9], $0x1400  }
.Ltmp0:
0x82: {  	[sflag:s9] =	ssyncset.done $0x0;
	(pc) =	sbr.rel @p1 .LBB2_2-.Ltmp0, $4  }
0x83: {  	s20 =	sadd.s32 $0xA, s20;
	[sflag:s9] =	ssyncadd.s32 $0xFFFFEC00  }
0x84: {  	[tilespmem:s28], [sflag:$0x2] =	stream.linear.gather [hbm4b:s20+s4], $0x28, $0x38;
	[tilespmem:$0x19D80] =	vst v63  }
0x85: {  	s15 =	sadd.s32 $0x500, s15;
	s18 =	sadd.s32 $0x780, s16  }
0x86: {  	[tilespmem:s29], [sflag:$0x4] =	stream.indirect.gather [hbm4b:s1+s24], $0x80, s14, s24, $0xb8;
	[tilespmem:$0x19D80] =	vst v63  }
0x87: {  	[tilespmem:s30], [sflag:$0x6] =	stream.linear.gather [hbm4b:s18+s4], $0x1400, $0x38;
	[tilespmem:$0x19D80] =	vst v63  }
0x88: {  	_ =	swait.ge [sflag:s31], $0x28  }
0x89: {  	[sflag:s31] =	ssyncset.done $0x0  }
0x8a: {  	[sflag:s31] =	ssyncadd.s32 $0xFFFFFFD8  }
0x8b: {  	_ =	swait.ge [sflag:s22], $0x1400  }
0x8c: {  	[sflag:s22] =	ssyncset.done $0x0  }
0x8d: {  	[sflag:s22] =	ssyncadd.s32 $0xFFFFEC00  }
0x8e: {  	_ =	swait.ge [sflag:s2], $0x1400  }
0x8f: {  	[sflag:s2] =	ssyncset.done $0x0  }
0x90: {  	[sflag:s2] =	ssyncadd.s32 $0xFFFFEC00  }
0x91: {  	[spmem:s3] =	stream.indirect.scatter.add.f32 [tilespmem:s26], [sflag:$0x7], $0x80, s23, s24, $0xb8;
	[tilespmem:$0x19D80] =	vst v63  }
0x92: {  	_ =	swait.ge [sflag:s0], $0x1400  }
0x93: {  	[sflag:s0] =	ssyncset.done $0x0  }
0x94: {  	s14 =	rddreg [dreg:$0x11];
	[sflag:s0] =	ssyncadd.s32 $0xFFFFEC00  }
0x95: {  	[tilespmem:s23], [sflag:$0x1] =	stream.linear.gather [hbm4b:s14+s4], $0x28, $0x38;
	[tilespmem:$0x19D80] =	vst v63  }
0x96: {  	s19 =	simm.s32 $0x1360  }
0x97: {  	[tilespmem:s25], [sflag:$0x3] =	stream.indirect.gather [hbm4b:s1+s24], $0x80, s19, s24, $0xb8;
	[tilespmem:$0x19D80] =	vst v63  }
0x98: {  	s20 =	rddreg [dreg:$0x12]  }
0x99: {  	[tilespmem:s26], [sflag:$0x5] =	stream.linear.gather [hbm4b:s20+s4], $0x1400, $0x38;
	[tilespmem:$0x19D80] =	vst v63  }
0x9a: {  	_ =	swait.ge [sflag:s6], $0x28  }
0x9b: {  	[sflag:s6] =	ssyncset.done $0x0  }
0x9c: {  	[sflag:s6] =	ssyncadd.s32 $0xFFFFFFD8  }
0x9d: {  	_ =	swait.ge [sflag:s7], $0x1400  }
0x9e: {  	[sflag:s7] =	ssyncset.done $0x0  }
0x9f: {  	[sflag:s7] =	ssyncadd.s32 $0xFFFFEC00  }
0xa0: {  	_ =	swait.ge [sflag:s8], $0x1400  }
0xa1: {  	[sflag:s8] =	ssyncset.done $0x0  }
0xa2: {  	[sflag:s8] =	ssyncadd.s32 $0xFFFFEC00  }
0xa3: {  	[spmem:s3] =	stream.indirect.scatter.add.f32 [tilespmem:s30], [sflag:$0x8], $0x80, s28, s24, $0xb8;
	[tilespmem:$0x19D80] =	vst v63  }
0xa4: {  	_ =	swait.ge [sflag:s9], $0x1400  }
0xa5: {  	[sflag:s9] =	ssyncset.done $0x0  }
0xa6: {  	[sflag:s9] =	ssyncadd.s32 $0xFFFFEC00  }
0xa7: {  	_ =	swait.ge [sflag:s31], $0x28  }
0xa8: {  	[sflag:s31] =	ssyncset.done $0x0  }
0xa9: {  	[sflag:s31] =	ssyncadd.s32 $0xFFFFFFD8  }
0xaa: {  	_ =	swait.ge [sflag:s22], $0x1400  }
0xab: {  	[sflag:s22] =	ssyncset.done $0x0  }
0xac: {  	[sflag:s22] =	ssyncadd.s32 $0xFFFFEC00  }
0xad: {  	_ =	swait.ge [sflag:s2], $0x1400  }
0xae: {  	[sflag:s2] =	ssyncset.done $0x0  }
0xaf: {  	[sflag:s2] =	ssyncadd.s32 $0xFFFFEC00  }
0xb0: {  	[spmem:s3] =	stream.indirect.scatter.add.f32 [tilespmem:s26], [sflag:$0x7], $0x80, s23, s24, $0xb8;
	[tilespmem:$0x19D80] =	vst v63  }
0xb1: {  	_ =	swait.ge [sflag:s0], $0x1400  }
0xb2: {  	[sflag:s0] =	ssyncset.done $0x0  }
0xb3: {  	[sflag:s0] =	ssyncadd.s32 $0xFFFFEC00  }
0xb4: {  	[bflag:$0x0] =	sbarrier.arrive $0xFFFF  }
0xb5: {  	s14 =	simm.s32 @p0 $0x1FC9;
	s15 =	rddreg [dreg:$0xf]  }
0xb6: {  	[hbm:s15], [sflag:s14] =	dma.local @p0 [spmem:s11], $0x1900  }
0xb7: {  	s11 =	simm.s32 @p0 $0x9  }
0xb8: {  	_ =	swait.ge @p0 [sflag:s11], $0x1900  }
0xb9: {  	[sflag:s11] =	ssyncset.done @p0 $0x0  }
0xba: {  	[sflag:s11] =	ssyncadd.s32 @p0 $0xFFFFE700;
	s11 =	sor.u32 @!p0 $0x1C09, s12;
	s12 =	rddreg [dreg:$0xe]  }
0xbb: {  	[hbm:s12], [sflag:s11] =	dma.local @!p0 [spmem:s13], $0x2800  }
0xbc: {  	s11 =	simm.s32 @!p0 $0x9  }
0xbd: {  	_ =	swait.ge @!p0 [sflag:s11], $0x2800  }
0xbe: {  	s10 =	sadd.s32 $0x1, s10;
	s21 =	rddreg [dreg:$0x10]  }
0xbf: {  	p1 =	sne.s32 s10, s21  }
.Ltmp1:
0xc0: {  	_ = 	snop;
	(pc) =	sbr.rel @p1 .LBB2_1-.Ltmp1, $3  }
0xc1: {  	_ =	sdelay $0x1  }
0xc2: {  	[sflag:s11] =	ssyncset.done @!p0 $0x0  }
0xc3: {  	[sflag:s11] =	ssyncadd.s32 @!p0 $0xFFFFD800  }
0xc4: {  	_ =	sfence.sel $0x180000  }
0xc5: {  	[bflag:$0x0] =	sbarrier.arrive $0xFFFF  }
0xc6: {  	_ =	strace $0x90000047  }
0xc7: {  	s0 =	stileid.u32;
	[bflag:$0x2] =	sbarrier.arrive $0xFFFF  }
0xc8: {  	p0 =	sne.s32 s0, $0x0;
	s0 =	rddreg [dreg:$0x3]  }
0xc9: {  	s0 =	sadd.s32 @!p0 $0x100000, s0  }
0xca: {  	[sflag:s0] =	ssyncadd.tile.s32 @!p0 $0x1;
	_ =	shalt  }
.Lfunc_end2:
_tile_overlayer_lowered:
.L_overlay_start_2:
0xcb: {  	(tag) =	ssettag $0x2  }
0xcc: {  	s0 =	rddreg [dreg:$0x0];
	s2 =	stileid.u32  }
0xcd: {  	s1 =	rddreg [dreg:$0x1];
	p0 =	sne.s32 s2, $0x0  }
0xce: {  	s3 =	rddreg [dreg:$0x2];
	[bflag:$0x3] =	sbarrier.arrive $0xFFFF;
	s2 =	simm.s32 @!p0 $0x1C09  }
0xcf: {  	[timem:s3], [sflag:s2] =	dma.local @!p0 [hbm:s0], s1  }
0xd0: {  	s0 =	simm.s32 @!p0 $0x9  }
0xd1: {  	_ =	swait.ge @!p0 [sflag:s0], s1  }
0xd2: {  	s1 =	ssub.s32 @!p0 $0x0, s1;
	[sflag:s0] =	ssyncset.done @!p0 $0x0  }
0xd3: {  	[sflag:s0] =	ssyncadd.s32 @!p0 s1  }
0xd4: {  	[bflag:$0x3] =	sbarrier.arrive $0xFFFF  }
0xd5: {  	_ =	shalt  }

</sc_bundles>
